<compile_context>
chip_gen: v7x
topology: tpu7x:2x2x1
jax: 0.10.2.dev20260603
libtpu: 0.0.44.dev20260713+nightly
codegen_flags: <defaults>
</compile_context>

<pallas_src>
import functools

import jax
import jax.numpy as jnp
from jax import lax
from jax.experimental import pallas as pl
from jax.experimental.pallas import tpu as pltpu
from jax.experimental.pallas import tpu_sc as plsc

_VOCAB = 8192
_EMBED = 256
_ROWS = 8192
_TM = 512
_RT = _ROWS // _TM
_W = 512


def _argmin_body(z_ref, zn_ref, cn_ref, colf_ref, cb_ref,
                 idx_ref, loss_ref, acc_ref):
    r = pl.program_id(0)
    zt = z_ref[0] * -2.0
    zn = zn_ref[...]

    val = None
    for k in range(_VOCAB // _W):
        off = k * _W
        cbk = cb_ref[off:off + _W, :]
        mmk = lax.dot_general(zt, cbk, (((0,), (1,)), ((), ())),
                              preferred_element_type=jnp.float32)
        cnk = cn_ref[:, pl.ds(off, _W)]
        colk = colf_ref[:, pl.ds(off, _W)]
        dc = (zn + cnk) + mmk
        dk = None
        for q in range(_W // 128):
            dq = dc[:, q * 128:(q + 1) * 128]
            cq = jnp.broadcast_to(colk[:, q * 128:(q + 1) * 128], (_TM, 128))
            if dk is None:
                dk, ik = dq, cq
            else:
                cf = dq < dk
                ik = jnp.where(cf, cq, ik)
                dk = jnp.where(cf, dq, dk)
        if val is None:
            val, idx = dk, ik
        else:
            c = dk < val
            idx = jnp.where(c, ik, idx)
            val = jnp.where(c, dk, val)

    m = jnp.min(val, axis=1, keepdims=True)
    lif = jnp.min(jnp.where(val == m, idx, jnp.inf), axis=1, keepdims=True)
    idx_ref[...] = lif.astype(jnp.int32)
    part = jnp.sum(m)

    @pl.when(r == 0)
    def _init():
        acc_ref[0, 0] = part

    @pl.when(r > 0)
    def _acc():
        acc_ref[0, 0] = acc_ref[0, 0] + part

    @pl.when(r == _RT - 1)
    def _finish():
        loss_ref[...] = jnp.full(
            (1, 1), acc_ref[0, 0] / float(_ROWS * _EMBED), jnp.float32)


def _run_argmin(z3, zn, cn2, cb):
    colf = jnp.arange(_VOCAB, dtype=jnp.float32).reshape(1, _VOCAB)
    return pl.pallas_call(
        _argmin_body,
        grid=(_RT,),
        in_specs=[
            pl.BlockSpec((1, _EMBED, _TM), lambda r: (r // 2, 0, r % 2)),
            pl.BlockSpec((_TM, 1), lambda r: (r, 0)),
            pl.BlockSpec((1, _VOCAB), lambda r: (0, 0)),
            pl.BlockSpec((1, _VOCAB), lambda r: (0, 0)),
            pl.BlockSpec((_VOCAB, _EMBED), lambda r: (0, 0)),
        ],
        out_specs=[
            pl.BlockSpec((_TM, 1), lambda r: (r, 0)),
            pl.BlockSpec((1, 1), lambda r: (0, 0)),
        ],
        out_shape=[
            jax.ShapeDtypeStruct((_ROWS, 1), jnp.int32),
            jax.ShapeDtypeStruct((1, 1), jnp.float32),
        ],
        scratch_shapes=[
            pltpu.SMEM((1, 1), jnp.float32),
        ],
    )(z3, zn, cn2, colf, cb)


def _ppl_body(idx_ref, out_ref):
    idx = idx_ref[...]
    c = jnp.zeros(idx.shape, jnp.int32)
    for b in range(8):
        c = c + (idx == idx[b:b + 1, :]).astype(jnp.int32)
    p = c.astype(jnp.float32) * 0.125
    ent = jnp.sum(jnp.log(p + 1e-10)) * 0.125
    out_ref[...] = jnp.full((1, 1), jnp.exp(-ent), jnp.float32)


def _run_ppl(idx8):
    return pl.pallas_call(
        _ppl_body,
        out_shape=jax.ShapeDtypeStruct((1, 1), jnp.float32),
    )(idx8)


_NC = 2
_NS = 16
_NW = _NC * _NS
_BPW = _ROWS // _NW
_CH = 128
_NCH = _BPW // _CH


@functools.cache
def _make_sc_gather():
    mesh = plsc.VectorSubcoreMesh(core_axis_name="c", subcore_axis_name="s")

    @functools.partial(
        pl.kernel,
        mesh=mesh,
        out_type=jax.ShapeDtypeStruct((_ROWS, _EMBED), jnp.float32),
        scratch_types=[
            pltpu.VMEM((_CH,), jnp.int32),
            pltpu.VMEM((_CH,), jnp.int32),
            pltpu.VMEM((_CH, _EMBED), jnp.float32),
            pltpu.VMEM((_CH, _EMBED), jnp.float32),
            pltpu.SemaphoreType.DMA,
            pltpu.SemaphoreType.DMA,
        ],
    )
    def _sc_gather(table_hbm, idx_hbm, out_hbm, idx0, idx1, rows0, rows1, sem0, sem1):
        wid = lax.axis_index("s") * _NC + lax.axis_index("c")
        base = wid * _BPW
        idx_bufs = (idx0, idx1)
        row_bufs = (rows0, rows1)
        sems = (sem0, sem1)
        copies = []
        for k in range(_NCH):
            pltpu.sync_copy(idx_hbm.at[pl.ds(base + k * _CH, _CH)], idx_bufs[k])
            copies.append(pltpu.async_copy(table_hbm.at[idx_bufs[k]], row_bufs[k], sems[k]))
        for k in range(_NCH):
            copies[k].wait()
            pltpu.sync_copy(row_bufs[k], out_hbm.at[pl.ds(base + k * _CH, _CH)])

    return _sc_gather


def kernel(z, codebook):
    B, C, H, W = z.shape
    z_flat = jnp.transpose(z, (0, 2, 3, 1)).reshape(B, H * W, C).astype(jnp.float32)
    cb = codebook.astype(jnp.float32)
    zn = jnp.sum(z_flat ** 2, axis=-1, keepdims=True)
    cn = jnp.sum(cb ** 2, axis=-1)

    idx2, loss_out = _run_argmin(
        z.reshape(B, C, H * W), zn.reshape(B * H * W, 1),
        cn.reshape(1, _VOCAB), cb)

    idx_flat = idx2.reshape(B * H * W)
    zq_flat = _make_sc_gather()(cb, idx_flat)
    ppl_out = _run_ppl(idx2.reshape(B, H * W))

    z_q = jnp.transpose(zq_flat.reshape(B, H, W, C), (0, 3, 1, 2))
    indices = idx_flat.reshape(B, H, W)
    return z_q, indices, loss_out[0, 0], ppl_out[0, 0]

# --- scband reference (transcript-rebuilt; emitter-appended) ---
"""Pipeline reference for scband-vector-quantizer-ema-72722386256094 (READ-ONLY COPY).

The authoritative reference and input builder live on the scoring server;
editing this copy changes nothing except your own understanding.
"""

import jax, jax.numpy as jnp
import numpy as np

VOCAB = 8192
EMBED = 256

def setup_inputs(seed: int = 0) -> dict:
    key = jax.random.key(seed)
    k1, k2 = jax.random.split(key)
    z = jax.random.normal(k1, (8, 256, 32, 32), dtype=jnp.float32)
    codebook = jax.random.uniform(k2, (VOCAB, EMBED), dtype=jnp.float32, minval=-1.0 / VOCAB, maxval=1.0 / VOCAB)
    return {"z": z, "codebook": codebook}

def reference(z, codebook):
    B, C, H, W = z.shape
    z_flat = jnp.transpose(z, (0, 2, 3, 1)).reshape(B, H * W, C).astype(jnp.float32)
    cb = codebook.astype(jnp.float32)
    d = jnp.sum(z_flat ** 2, axis=-1, keepdims=True) + jnp.sum(cb ** 2, axis=-1) - 2.0 * jnp.matmul(z_flat, cb.T)
    indices = jnp.argmin(d, axis=-1)
    z_q = jnp.take(cb, indices, axis=0)
    z_q = jnp.transpose(z_q.reshape(B, H, W, C), (0, 3, 1, 2))
    commitment_loss = jnp.mean((jax.lax.stop_gradient(z_q) - z) ** 2)
    encodings = jax.nn.one_hot(indices, VOCAB, dtype=jnp.float32)
    avg_probs = jnp.mean(encodings, axis=0)
    perplexity = jnp.exp(-jnp.sum(avg_probs * jnp.log(avg_probs + 1e-10)))
    return z_q, indices.reshape(B, H, W), commitment_loss, perplexity

if __name__ == "__main__":
    import jax
    _d = setup_inputs()
    print(jax.jit(kernel)(*tuple(_d.values())))

</pallas_src>

<mosaic_0001>
#map = affine_map<(d0, d1) -> (0, 0)>
#map1 = affine_map<(d0, d1) -> (0)>
module attributes {stable_mosaic.version = 14 : i64} {
  func.func @_sc_gather(%arg0: i32, %arg1: i32, %arg2: memref<8192x256xf32, #tpu.memory_space<hbm>>, %arg3: memref<8192xi32, #tpu.memory_space<hbm>>, %arg4: memref<8192x256xf32, #tpu.memory_space<hbm>>, %arg5: memref<128xi32, #tpu.memory_space<vmem>>, %arg6: memref<128xi32, #tpu.memory_space<vmem>>, %arg7: memref<128x256xf32, #tpu.memory_space<vmem>>, %arg8: memref<128x256xf32, #tpu.memory_space<vmem>>, %arg9: memref<!tpu.dma_semaphore, #tpu.memory_space<semaphore_mem>>, %arg10: memref<!tpu.dma_semaphore, #tpu.memory_space<semaphore_mem>>) attributes {dimension_semantics = [#tpu.dimension_semantics<core_parallel>, #tpu.dimension_semantics<subcore_parallel>], iteration_bounds = array<i64: 2, 16>, scalar_prefetch = 0 : i64, scratch_operands = 6 : i64, tpu.core_type = #tpu.core_type<sc_vector_subcore>, window_params = [{transform_indices = #map}, {transform_indices = #map1}, {transform_indices = #map}]} {
    %mul3A = arith.constant 2 : i32
    %mul3A_0 = arith.muli %arg1, %mul3A : i32
    %add3A = arith.addi %mul3A_0, %arg0 : i32
    %mul3A_1 = arith.constant 256 : i32
    %mul3A_2 = arith.muli %add3A, %mul3A_1 : i32
    %add3A_3 = arith.constant 0 : i32
    %add3A_4 = arith.addi %mul3A_2, %add3A_3 : i32
    "tpu.region"() ({
      %run_scoped3A = tpu.sem_alloc : memref<!tpu.dma_semaphore, #tpu.memory_space<semaphore_mem>>
      %dma_start3A_21 = tpu.memref_slice %arg3[%add3A_4] : memref<8192xi32, #tpu.memory_space<hbm>> -> memref<128xi32, #tpu.memory_space<hbm>>
      %dma_start3A_22 = tpu.memref_slice %arg3[%add3A_4] : memref<8192xi32, #tpu.memory_space<hbm>> -> memref<128xi32, #tpu.memory_space<hbm>>
      tpu.enqueue_dma source(%dma_start3A_22 : memref<128xi32, #tpu.memory_space<hbm>>) target(%arg5 : memref<128xi32, #tpu.memory_space<vmem>>) target_semaphore(%run_scoped3A : memref<!tpu.dma_semaphore, #tpu.memory_space<semaphore_mem>>)
      %dma_wait3A_23 = tpu.memref_slice %arg3[%add3A_4] : memref<8192xi32, #tpu.memory_space<hbm>> -> memref<128xi32, #tpu.memory_space<hbm>>
      %dma_wait3A_24 = tpu.memref_slice %arg3[%add3A_4] : memref<8192xi32, #tpu.memory_space<hbm>> -> memref<128xi32, #tpu.memory_space<hbm>>
      tpu.wait_dma2 semaphore(%run_scoped3A : memref<!tpu.dma_semaphore, #tpu.memory_space<semaphore_mem>>) src(%dma_wait3A_24 : memref<128xi32, #tpu.memory_space<hbm>>) dst(%arg5 : memref<128xi32, #tpu.memory_space<vmem>>)
      tpu.yield
    }) : () -> ()
    %dma_start3A = arith.constant 0 : i32
    %dma_start3A_5 = arith.constant 0 : i32
    %dma_start3A_6 = tpu.memref_slice %arg2[%dma_start3A, %dma_start3A_5] : memref<8192x256xf32, #tpu.memory_space<hbm>> -> memref<8192x256xf32, #tpu.memory_space<hbm>>
    tpu.enqueue_indirect_dma source(%dma_start3A_6 : memref<8192x256xf32, #tpu.memory_space<hbm>>) target(%arg7 : memref<128x256xf32, #tpu.memory_space<vmem>>) offsets(%arg5 : memref<128xi32, #tpu.memory_space<vmem>>) semaphore(%arg9 : memref<!tpu.dma_semaphore, #tpu.memory_space<semaphore_mem>>)
    %add3A_7 = arith.constant 128 : i32
    %add3A_8 = arith.addi %mul3A_2, %add3A_7 : i32
    "tpu.region"() ({
      %run_scoped3A = tpu.sem_alloc : memref<!tpu.dma_semaphore, #tpu.memory_space<semaphore_mem>>
      %dma_start3A_21 = tpu.memref_slice %arg3[%add3A_8] : memref<8192xi32, #tpu.memory_space<hbm>> -> memref<128xi32, #tpu.memory_space<hbm>>
      %dma_start3A_22 = tpu.memref_slice %arg3[%add3A_8] : memref<8192xi32, #tpu.memory_space<hbm>> -> memref<128xi32, #tpu.memory_space<hbm>>
      tpu.enqueue_dma source(%dma_start3A_22 : memref<128xi32, #tpu.memory_space<hbm>>) target(%arg6 : memref<128xi32, #tpu.memory_space<vmem>>) target_semaphore(%run_scoped3A : memref<!tpu.dma_semaphore, #tpu.memory_space<semaphore_mem>>)
      %dma_wait3A_23 = tpu.memref_slice %arg3[%add3A_8] : memref<8192xi32, #tpu.memory_space<hbm>> -> memref<128xi32, #tpu.memory_space<hbm>>
      %dma_wait3A_24 = tpu.memref_slice %arg3[%add3A_8] : memref<8192xi32, #tpu.memory_space<hbm>> -> memref<128xi32, #tpu.memory_space<hbm>>
      tpu.wait_dma2 semaphore(%run_scoped3A : memref<!tpu.dma_semaphore, #tpu.memory_space<semaphore_mem>>) src(%dma_wait3A_24 : memref<128xi32, #tpu.memory_space<hbm>>) dst(%arg6 : memref<128xi32, #tpu.memory_space<vmem>>)
      tpu.yield
    }) : () -> ()
    %dma_start3A_9 = arith.constant 0 : i32
    %dma_start3A_10 = arith.constant 0 : i32
    %dma_start3A_11 = tpu.memref_slice %arg2[%dma_start3A_9, %dma_start3A_10] : memref<8192x256xf32, #tpu.memory_space<hbm>> -> memref<8192x256xf32, #tpu.memory_space<hbm>>
    tpu.enqueue_indirect_dma source(%dma_start3A_11 : memref<8192x256xf32, #tpu.memory_space<hbm>>) target(%arg8 : memref<128x256xf32, #tpu.memory_space<vmem>>) offsets(%arg6 : memref<128xi32, #tpu.memory_space<vmem>>) semaphore(%arg10 : memref<!tpu.dma_semaphore, #tpu.memory_space<semaphore_mem>>)
    %dma_wait3A = arith.constant 0 : i32
    %dma_wait3A_12 = arith.constant 0 : i32
    %dma_wait3A_13 = tpu.memref_slice %arg2[%dma_wait3A, %dma_wait3A_12] : memref<8192x256xf32, #tpu.memory_space<hbm>> -> memref<8192x256xf32, #tpu.memory_space<hbm>>
    tpu.wait_indirect_dma semaphore(%arg9 : memref<!tpu.dma_semaphore, #tpu.memory_space<semaphore_mem>>) src(%dma_wait3A_13 : memref<8192x256xf32, #tpu.memory_space<hbm>>) dst(%arg7 : memref<128x256xf32, #tpu.memory_space<vmem>>)
    %add3A_14 = arith.constant 0 : i32
    %add3A_15 = arith.addi %mul3A_2, %add3A_14 : i32
    "tpu.region"() ({
      %run_scoped3A = tpu.sem_alloc : memref<!tpu.dma_semaphore, #tpu.memory_space<semaphore_mem>>
      %dma_start3A_21 = arith.constant 0 : i32
      %dma_start3A_22 = tpu.memref_slice %arg4[%add3A_15, %dma_start3A_21] : memref<8192x256xf32, #tpu.memory_space<hbm>> -> memref<128x256xf32, #tpu.memory_space<hbm>>
      %dma_start3A_23 = arith.constant 0 : i32
      %dma_start3A_24 = tpu.memref_slice %arg4[%add3A_15, %dma_start3A_23] : memref<8192x256xf32, #tpu.memory_space<hbm>> -> memref<128x256xf32, #tpu.memory_space<hbm>>
      tpu.enqueue_dma source(%arg7 : memref<128x256xf32, #tpu.memory_space<vmem>>) target(%dma_start3A_24 : memref<128x256xf32, #tpu.memory_space<hbm>>) target_semaphore(%run_scoped3A : memref<!tpu.dma_semaphore, #tpu.memory_space<semaphore_mem>>)
      %dma_wait3A_25 = arith.constant 0 : i32
      %dma_wait3A_26 = tpu.memref_slice %arg4[%add3A_15, %dma_wait3A_25] : memref<8192x256xf32, #tpu.memory_space<hbm>> -> memref<128x256xf32, #tpu.memory_space<hbm>>
      %dma_wait3A_27 = arith.constant 0 : i32
      %dma_wait3A_28 = tpu.memref_slice %arg4[%add3A_15, %dma_wait3A_27] : memref<8192x256xf32, #tpu.memory_space<hbm>> -> memref<128x256xf32, #tpu.memory_space<hbm>>
      tpu.wait_dma2 semaphore(%run_scoped3A : memref<!tpu.dma_semaphore, #tpu.memory_space<semaphore_mem>>) src(%arg7 : memref<128x256xf32, #tpu.memory_space<vmem>>) dst(%dma_wait3A_28 : memref<128x256xf32, #tpu.memory_space<hbm>>)
      tpu.yield
    }) : () -> ()
    %dma_wait3A_16 = arith.constant 0 : i32
    %dma_wait3A_17 = arith.constant 0 : i32
    %dma_wait3A_18 = tpu.memref_slice %arg2[%dma_wait3A_16, %dma_wait3A_17] : memref<8192x256xf32, #tpu.memory_space<hbm>> -> memref<8192x256xf32, #tpu.memory_space<hbm>>
    tpu.wait_indirect_dma semaphore(%arg10 : memref<!tpu.dma_semaphore, #tpu.memory_space<semaphore_mem>>) src(%dma_wait3A_18 : memref<8192x256xf32, #tpu.memory_space<hbm>>) dst(%arg8 : memref<128x256xf32, #tpu.memory_space<vmem>>)
    %add3A_19 = arith.constant 128 : i32
    %add3A_20 = arith.addi %mul3A_2, %add3A_19 : i32
    "tpu.region"() ({
      %run_scoped3A = tpu.sem_alloc : memref<!tpu.dma_semaphore, #tpu.memory_space<semaphore_mem>>
      %dma_start3A_21 = arith.constant 0 : i32
      %dma_start3A_22 = tpu.memref_slice %arg4[%add3A_20, %dma_start3A_21] : memref<8192x256xf32, #tpu.memory_space<hbm>> -> memref<128x256xf32, #tpu.memory_space<hbm>>
      %dma_start3A_23 = arith.constant 0 : i32
      %dma_start3A_24 = tpu.memref_slice %arg4[%add3A_20, %dma_start3A_23] : memref<8192x256xf32, #tpu.memory_space<hbm>> -> memref<128x256xf32, #tpu.memory_space<hbm>>
      tpu.enqueue_dma source(%arg8 : memref<128x256xf32, #tpu.memory_space<vmem>>) target(%dma_start3A_24 : memref<128x256xf32, #tpu.memory_space<hbm>>) target_semaphore(%run_scoped3A : memref<!tpu.dma_semaphore, #tpu.memory_space<semaphore_mem>>)
      %dma_wait3A_25 = arith.constant 0 : i32
      %dma_wait3A_26 = tpu.memref_slice %arg4[%add3A_20, %dma_wait3A_25] : memref<8192x256xf32, #tpu.memory_space<hbm>> -> memref<128x256xf32, #tpu.memory_space<hbm>>
      %dma_wait3A_27 = arith.constant 0 : i32
      %dma_wait3A_28 = tpu.memref_slice %arg4[%add3A_20, %dma_wait3A_27] : memref<8192x256xf32, #tpu.memory_space<hbm>> -> memref<128x256xf32, #tpu.memory_space<hbm>>
      tpu.wait_dma2 semaphore(%run_scoped3A : memref<!tpu.dma_semaphore, #tpu.memory_space<semaphore_mem>>) src(%arg8 : memref<128x256xf32, #tpu.memory_space<vmem>>) dst(%dma_wait3A_28 : memref<128x256xf32, #tpu.memory_space<hbm>>)
      tpu.yield
    }) : () -> ()
    return
  }
}

module attributes {stable_mosaic.version = 14 : i64} {
  func.func @_argmin_body(%arg0: i32, %arg1: memref<1x256x512xf32, #tpu.memory_space<vmem>>, %arg2: memref<512x1xf32, #tpu.memory_space<vmem>>, %arg3: memref<1x8192xf32, #tpu.memory_space<vmem>>, %arg4: memref<1x8192xf32, #tpu.memory_space<vmem>>, %arg5: memref<8192x256xf32, #tpu.memory_space<vmem>>, %arg6: memref<512x1xi32, #tpu.memory_space<vmem>>, %arg7: memref<1x1xf32, #tpu.memory_space<vmem>>, %arg8: memref<1x1xf32, #tpu.memory_space<smem>>) attributes {dimension_semantics = [#tpu.dimension_semantics<arbitrary>], iteration_bounds = array<i64: 16>, scalar_prefetch = 0 : i64, scratch_operands = 1 : i64, tpu.core_type = #tpu.core_type<tc>, window_params = [{transform_indices = @transform_0, window_bounds = array<i64: 1, 256, 512>}, {transform_indices = @transform_1, window_bounds = array<i64: 512, 1>}, {pipeline_mode = #tpu.pipeline_mode<synchronous>, transform_indices = @transform_2, window_bounds = array<i64: 1, 8192>}, {pipeline_mode = #tpu.pipeline_mode<synchronous>, transform_indices = @transform_3, window_bounds = array<i64: 1, 8192>}, {pipeline_mode = #tpu.pipeline_mode<synchronous>, transform_indices = @transform_4, window_bounds = array<i64: 8192, 256>}, {transform_indices = @transform_5, window_bounds = array<i64: 512, 1>}, {pipeline_mode = #tpu.pipeline_mode<synchronous>, transform_indices = @transform_6, window_bounds = array<i64: 1, 1>}]} {
    %get3A = arith.constant 0 : index
    %get3A_0 = arith.constant 0 : index
    %get3A_1 = arith.constant 0 : index
    %get3A_2 = vector.load %arg1[%get3A, %get3A_0, %get3A_1] : memref<1x256x512xf32, #tpu.memory_space<vmem>>, vector<1x256x512xf32>
    %get3A_3 = vector.shape_cast %get3A_2 : vector<1x256x512xf32> to vector<256x512xf32>
    %mul3A = arith.constant -2.000000e+00 : f32
    %mul3A_4 = vector.broadcast %mul3A : f32 to vector<256x512xf32>
    %mul3A_5 = arith.mulf %get3A_3, %mul3A_4 : vector<256x512xf32>
    %get3A_6 = arith.constant 0 : index
    %get3A_7 = arith.constant 0 : index
    %get3A_8 = vector.load %arg2[%get3A_6, %get3A_7] : memref<512x1xf32, #tpu.memory_space<vmem>>, vector<512x1xf32>
    %get3A_9 = arith.constant 0 : index
    %get3A_10 = arith.constant 0 : index
    %get3A_11 = vector.load %arg5[%get3A_9, %get3A_10] : memref<8192x256xf32, #tpu.memory_space<vmem>>, vector<512x256xf32>
    %dot_general3A = arith.constant dense<0.000000e+00> : vector<512x512xf32>
    %dot_general3A_12 = tpu.matmul %mul3A_5, %get3A_11, %dot_general3A {dimension_numbers = #tpu.dot_dimension_numbers<[0], [1], [1], [0], [0, 1, 1, 0], [], []>, transpose_lhs_hint = false} : vector<256x512xf32>, vector<512x256xf32>, vector<512x512xf32> -> vector<512x512xf32>
    %get3A_13 = arith.constant 0 : index
    %get3A_14 = arith.constant 0 : index
    %get3A_15 = vector.load %arg3[%get3A_13, %get3A_14] : memref<1x8192xf32, #tpu.memory_space<vmem>>, vector<1x512xf32>
    %get3A_16 = arith.constant 0 : index
    %get3A_17 = arith.constant 0 : index
    %get3A_18 = vector.load %arg4[%get3A_16, %get3A_17] : memref<1x8192xf32, #tpu.memory_space<vmem>>, vector<1x512xf32>
    %add3A = vector.broadcast %get3A_8 : vector<512x1xf32> to vector<512x512xf32>
    %add3A_19 = vector.broadcast %get3A_15 : vector<1x512xf32> to vector<512x512xf32>
    %add3A_20 = arith.addf %add3A, %add3A_19 : vector<512x512xf32>
    %add3A_21 = arith.addf %add3A_20, %dot_general3A_12 : vector<512x512xf32>
    %slice3A = vector.extract_strided_slice %add3A_21 {offsets = [0, 0], sizes = [512, 128], strides = [1, 1]} : vector<512x512xf32> to vector<512x128xf32>
    %slice3A_22 = vector.extract_strided_slice %get3A_18 {offsets = [0, 0], sizes = [1, 128], strides = [1, 1]} : vector<1x512xf32> to vector<1x128xf32>
    %broadcast_in_dim3A = vector.shape_cast %slice3A_22 : vector<1x128xf32> to vector<1x128xf32>
    %broadcast_in_dim3A_23 = vector.broadcast %broadcast_in_dim3A : vector<1x128xf32> to vector<512x128xf32>
    %slice3A_24 = vector.extract_strided_slice %add3A_21 {offsets = [0, 128], sizes = [512, 128], strides = [1, 1]} : vector<512x512xf32> to vector<512x128xf32>
    %slice3A_25 = vector.extract_strided_slice %get3A_18 {offsets = [0, 128], sizes = [1, 128], strides = [1, 1]} : vector<1x512xf32> to vector<1x128xf32>
    %broadcast_in_dim3A_26 = vector.shape_cast %slice3A_25 : vector<1x128xf32> to vector<1x128xf32>
    %broadcast_in_dim3A_27 = vector.broadcast %broadcast_in_dim3A_26 : vector<1x128xf32> to vector<512x128xf32>
    %lt3A = arith.cmpf olt, %slice3A_24, %slice3A : vector<512x128xf32>
    %select_n3A = arith.select %lt3A, %broadcast_in_dim3A_27, %broadcast_in_dim3A_23 : vector<512x128xi1>, vector<512x128xf32>
    %select_n3A_28 = arith.select %lt3A, %slice3A_24, %slice3A : vector<512x128xi1>, vector<512x128xf32>
    %slice3A_29 = vector.extract_strided_slice %add3A_21 {offsets = [0, 256], sizes = [512, 128], strides = [1, 1]} : vector<512x512xf32> to vector<512x128xf32>
    %slice3A_30 = vector.extract_strided_slice %get3A_18 {offsets = [0, 256], sizes = [1, 128], strides = [1, 1]} : vector<1x512xf32> to vector<1x128xf32>
    %broadcast_in_dim3A_31 = vector.shape_cast %slice3A_30 : vector<1x128xf32> to vector<1x128xf32>
    %broadcast_in_dim3A_32 = vector.broadcast %broadcast_in_dim3A_31 : vector<1x128xf32> to vector<512x128xf32>
    %lt3A_33 = arith.cmpf olt, %slice3A_29, %select_n3A_28 : vector<512x128xf32>
    %select_n3A_34 = arith.select %lt3A_33, %broadcast_in_dim3A_32, %select_n3A : vector<512x128xi1>, vector<512x128xf32>
    %select_n3A_35 = arith.select %lt3A_33, %slice3A_29, %select_n3A_28 : vector<512x128xi1>, vector<512x128xf32>
    %slice3A_36 = vector.extract_strided_slice %add3A_21 {offsets = [0, 384], sizes = [512, 128], strides = [1, 1]} : vector<512x512xf32> to vector<512x128xf32>
    %slice3A_37 = vector.extract_strided_slice %get3A_18 {offsets = [0, 384], sizes = [1, 128], strides = [1, 1]} : vector<1x512xf32> to vector<1x128xf32>
    %broadcast_in_dim3A_38 = vector.shape_cast %slice3A_37 : vector<1x128xf32> to vector<1x128xf32>
    %broadcast_in_dim3A_39 = vector.broadcast %broadcast_in_dim3A_38 : vector<1x128xf32> to vector<512x128xf32>
    %lt3A_40 = arith.cmpf olt, %slice3A_36, %select_n3A_35 : vector<512x128xf32>
    %select_n3A_41 = arith.select %lt3A_40, %broadcast_in_dim3A_39, %select_n3A_34 : vector<512x128xi1>, vector<512x128xf32>
    %select_n3A_42 = arith.select %lt3A_40, %slice3A_36, %select_n3A_35 : vector<512x128xi1>, vector<512x128xf32>
    %get3A_43 = arith.constant 512 : index
    %get3A_44 = arith.constant 0 : index
    %get3A_45 = vector.load %arg5[%get3A_43, %get3A_44] : memref<8192x256xf32, #tpu.memory_space<vmem>>, vector<512x256xf32>
    %dot_general3A_46 = arith.constant dense<0.000000e+00> : vector<512x512xf32>
    %dot_general3A_47 = tpu.matmul %mul3A_5, %get3A_45, %dot_general3A_46 {dimension_numbers = #tpu.dot_dimension_numbers<[0], [1], [1], [0], [0, 1, 1, 0], [], []>, transpose_lhs_hint = false} : vector<256x512xf32>, vector<512x256xf32>, vector<512x512xf32> -> vector<512x512xf32>
    %get3A_48 = arith.constant 0 : index
    %get3A_49 = arith.constant 512 : index
    %get3A_50 = vector.load %arg3[%get3A_48, %get3A_49] : memref<1x8192xf32, #tpu.memory_space<vmem>>, vector<1x512xf32>
    %get3A_51 = arith.constant 0 : index
    %get3A_52 = arith.constant 512 : index
    %get3A_53 = vector.load %arg4[%get3A_51, %get3A_52] : memref<1x8192xf32, #tpu.memory_space<vmem>>, vector<1x512xf32>
    %add3A_54 = vector.broadcast %get3A_8 : vector<512x1xf32> to vector<512x512xf32>
    %add3A_55 = vector.broadcast %get3A_50 : vector<1x512xf32> to vector<512x512xf32>
    %add3A_56 = arith.addf %add3A_54, %add3A_55 : vector<512x512xf32>
    %add3A_57 = arith.addf %add3A_56, %dot_general3A_47 : vector<512x512xf32>
    %slice3A_58 = vector.extract_strided_slice %add3A_57 {offsets = [0, 0], sizes = [512, 128], strides = [1, 1]} : vector<512x512xf32> to vector<512x128xf32>
    %slice3A_59 = vector.extract_strided_slice %get3A_53 {offsets = [0, 0], sizes = [1, 128], strides = [1, 1]} : vector<1x512xf32> to vector<1x128xf32>
    %broadcast_in_dim3A_60 = vector.shape_cast %slice3A_59 : vector<1x128xf32> to vector<1x128xf32>
    %broadcast_in_dim3A_61 = vector.broadcast %broadcast_in_dim3A_60 : vector<1x128xf32> to vector<512x128xf32>
    %slice3A_62 = vector.extract_strided_slice %add3A_57 {offsets = [0, 128], sizes = [512, 128], strides = [1, 1]} : vector<512x512xf32> to vector<512x128xf32>
    %slice3A_63 = vector.extract_strided_slice %get3A_53 {offsets = [0, 128], sizes = [1, 128], strides = [1, 1]} : vector<1x512xf32> to vector<1x128xf32>
    %broadcast_in_dim3A_64 = vector.shape_cast %slice3A_63 : vector<1x128xf32> to vector<1x128xf32>
    %broadcast_in_dim3A_65 = vector.broadcast %broadcast_in_dim3A_64 : vector<1x128xf32> to vector<512x128xf32>
    %lt3A_66 = arith.cmpf olt, %slice3A_62, %slice3A_58 : vector<512x128xf32>
    %select_n3A_67 = arith.select %lt3A_66, %broadcast_in_dim3A_65, %broadcast_in_dim3A_61 : vector<512x128xi1>, vector<512x128xf32>
    %select_n3A_68 = arith.select %lt3A_66, %slice3A_62, %slice3A_58 : vector<512x128xi1>, vector<512x128xf32>
    %slice3A_69 = vector.extract_strided_slice %add3A_57 {offsets = [0, 256], sizes = [512, 128], strides = [1, 1]} : vector<512x512xf32> to vector<512x128xf32>
    %slice3A_70 = vector.extract_strided_slice %get3A_53 {offsets = [0, 256], sizes = [1, 128], strides = [1, 1]} : vector<1x512xf32> to vector<1x128xf32>
    %broadcast_in_dim3A_71 = vector.shape_cast %slice3A_70 : vector<1x128xf32> to vector<1x128xf32>
    %broadcast_in_dim3A_72 = vector.broadcast %broadcast_in_dim3A_71 : vector<1x128xf32> to vector<512x128xf32>
    %lt3A_73 = arith.cmpf olt, %slice3A_69, %select_n3A_68 : vector<512x128xf32>
    %select_n3A_74 = arith.select %lt3A_73, %broadcast_in_dim3A_72, %select_n3A_67 : vector<512x128xi1>, vector<512x128xf32>
    %select_n3A_75 = arith.select %lt3A_73, %slice3A_69, %select_n3A_68 : vector<512x128xi1>, vector<512x128xf32>
    %slice3A_76 = vector.extract_strided_slice %add3A_57 {offsets = [0, 384], sizes = [512, 128], strides = [1, 1]} : vector<512x512xf32> to vector<512x128xf32>
    %slice3A_77 = vector.extract_strided_slice %get3A_53 {offsets = [0, 384], sizes = [1, 128], strides = [1, 1]} : vector<1x512xf32> to vector<1x128xf32>
    %broadcast_in_dim3A_78 = vector.shape_cast %slice3A_77 : vector<1x128xf32> to vector<1x128xf32>
    %broadcast_in_dim3A_79 = vector.broadcast %broadcast_in_dim3A_78 : vector<1x128xf32> to vector<512x128xf32>
    %lt3A_80 = arith.cmpf olt, %slice3A_76, %select_n3A_75 : vector<512x128xf32>
    %select_n3A_81 = arith.select %lt3A_80, %broadcast_in_dim3A_79, %select_n3A_74 : vector<512x128xi1>, vector<512x128xf32>
    %select_n3A_82 = arith.select %lt3A_80, %slice3A_76, %select_n3A_75 : vector<512x128xi1>, vector<512x128xf32>
    %lt3A_83 = arith.cmpf olt, %select_n3A_82, %select_n3A_42 : vector<512x128xf32>
    %select_n3A_84 = arith.select %lt3A_83, %select_n3A_81, %select_n3A_41 : vector<512x128xi1>, vector<512x128xf32>
    %select_n3A_85 = arith.select %lt3A_83, %select_n3A_82, %select_n3A_42 : vector<512x128xi1>, vector<512x128xf32>
    %get3A_86 = arith.constant 1024 : index
    %get3A_87 = arith.constant 0 : index
    %get3A_88 = vector.load %arg5[%get3A_86, %get3A_87] : memref<8192x256xf32, #tpu.memory_space<vmem>>, vector<512x256xf32>
    %dot_general3A_89 = arith.constant dense<0.000000e+00> : vector<512x512xf32>
    %dot_general3A_90 = tpu.matmul %mul3A_5, %get3A_88, %dot_general3A_89 {dimension_numbers = #tpu.dot_dimension_numbers<[0], [1], [1], [0], [0, 1, 1, 0], [], []>, transpose_lhs_hint = false} : vector<256x512xf32>, vector<512x256xf32>, vector<512x512xf32> -> vector<512x512xf32>
    %get3A_91 = arith.constant 0 : index
    %get3A_92 = arith.constant 1024 : index
    %get3A_93 = vector.load %arg3[%get3A_91, %get3A_92] : memref<1x8192xf32, #tpu.memory_space<vmem>>, vector<1x512xf32>
    %get3A_94 = arith.constant 0 : index
    %get3A_95 = arith.constant 1024 : index
    %get3A_96 = vector.load %arg4[%get3A_94, %get3A_95] : memref<1x8192xf32, #tpu.memory_space<vmem>>, vector<1x512xf32>
    %add3A_97 = vector.broadcast %get3A_8 : vector<512x1xf32> to vector<512x512xf32>
    %add3A_98 = vector.broadcast %get3A_93 : vector<1x512xf32> to vector<512x512xf32>
    %add3A_99 = arith.addf %add3A_97, %add3A_98 : vector<512x512xf32>
    %add3A_100 = arith.addf %add3A_99, %dot_general3A_90 : vector<512x512xf32>
    %slice3A_101 = vector.extract_strided_slice %add3A_100 {offsets = [0, 0], sizes = [512, 128], strides = [1, 1]} : vector<512x512xf32> to vector<512x128xf32>
    %slice3A_102 = vector.extract_strided_slice %get3A_96 {offsets = [0, 0], sizes = [1, 128], strides = [1, 1]} : vector<1x512xf32> to vector<1x128xf32>
    %broadcast_in_dim3A_103 = vector.shape_cast %slice3A_102 : vector<1x128xf32> to vector<1x128xf32>
    %broadcast_in_dim3A_104 = vector.broadcast %broadcast_in_dim3A_103 : vector<1x128xf32> to vector<512x128xf32>
    %slice3A_105 = vector.extract_strided_slice %add3A_100 {offsets = [0, 128], sizes = [512, 128], strides = [1, 1]} : vector<512x512xf32> to vector<512x128xf32>
    %slice3A_106 = vector.extract_strided_slice %get3A_96 {offsets = [0, 128], sizes = [1, 128], strides = [1, 1]} : vector<1x512xf32> to vector<1x128xf32>
    %broadcast_in_dim3A_107 = vector.shape_cast %slice3A_106 : vector<1x128xf32> to vector<1x128xf32>
    %broadcast_in_dim3A_108 = vector.broadcast %broadcast_in_dim3A_107 : vector<1x128xf32> to vector<512x128xf32>
    %lt3A_109 = arith.cmpf olt, %slice3A_105, %slice3A_101 : vector<512x128xf32>
    %select_n3A_110 = arith.select %lt3A_109, %broadcast_in_dim3A_108, %broadcast_in_dim3A_104 : vector<512x128xi1>, vector<512x128xf32>
    %select_n3A_111 = arith.select %lt3A_109, %slice3A_105, %slice3A_101 : vector<512x128xi1>, vector<512x128xf32>
    %slice3A_112 = vector.extract_strided_slice %add3A_100 {offsets = [0, 256], sizes = [512, 128], strides = [1, 1]} : vector<512x512xf32> to vector<512x128xf32>
    %slice3A_113 = vector.extract_strided_slice %get3A_96 {offsets = [0, 256], sizes = [1, 128], strides = [1, 1]} : vector<1x512xf32> to vector<1x128xf32>
    %broadcast_in_dim3A_114 = vector.shape_cast %slice3A_113 : vector<1x128xf32> to vector<1x128xf32>
    %broadcast_in_dim3A_115 = vector.broadcast %broadcast_in_dim3A_114 : vector<1x128xf32> to vector<512x128xf32>
    %lt3A_116 = arith.cmpf olt, %slice3A_112, %select_n3A_111 : vector<512x128xf32>
    %select_n3A_117 = arith.select %lt3A_116, %broadcast_in_dim3A_115, %select_n3A_110 : vector<512x128xi1>, vector<512x128xf32>
    %select_n3A_118 = arith.select %lt3A_116, %slice3A_112, %select_n3A_111 : vector<512x128xi1>, vector<512x128xf32>
    %slice3A_119 = vector.extract_strided_slice %add3A_100 {offsets = [0, 384], sizes = [512, 128], strides = [1, 1]} : vector<512x512xf32> to vector<512x128xf32>
    %slice3A_120 = vector.extract_strided_slice %get3A_96 {offsets = [0, 384], sizes = [1, 128], strides = [1, 1]} : vector<1x512xf32> to vector<1x128xf32>
    %broadcast_in_dim3A_121 = vector.shape_cast %slice3A_120 : vector<1x128xf32> to vector<1x128xf32>
    %broadcast_in_dim3A_122 = vector.broadcast %broadcast_in_dim3A_121 : vector<1x128xf32> to vector<512x128xf32>
    %lt3A_123 = arith.cmpf olt, %slice3A_119, %select_n3A_118 : vector<512x128xf32>
    %select_n3A_124 = arith.select %lt3A_123, %broadcast_in_dim3A_122, %select_n3A_117 : vector<512x128xi1>, vector<512x128xf32>
    %select_n3A_125 = arith.select %lt3A_123, %slice3A_119, %select_n3A_118 : vector<512x128xi1>, vector<512x128xf32>
    %lt3A_126 = arith.cmpf olt, %select_n3A_125, %select_n3A_85 : vector<512x128xf32>
    %select_n3A_127 = arith.select %lt3A_126, %select_n3A_124, %select_n3A_84 : vector<512x128xi1>, vector<512x128xf32>
    %select_n3A_128 = arith.select %lt3A_126, %select_n3A_125, %select_n3A_85 : vector<512x128xi1>, vector<512x128xf32>
    %get3A_129 = arith.constant 1536 : index
    %get3A_130 = arith.constant 0 : index
    %get3A_131 = vector.load %arg5[%get3A_129, %get3A_130] : memref<8192x256xf32, #tpu.memory_space<vmem>>, vector<512x256xf32>
    %dot_general3A_132 = arith.constant dense<0.000000e+00> : vector<512x512xf32>
    %dot_general3A_133 = tpu.matmul %mul3A_5, %get3A_131, %dot_general3A_132 {dimension_numbers = #tpu.dot_dimension_numbers<[0], [1], [1], [0], [0, 1, 1, 0], [], []>, transpose_lhs_hint = false} : vector<256x512xf32>, vector<512x256xf32>, vector<512x512xf32> -> vector<512x512xf32>
    %get3A_134 = arith.constant 0 : index
    %get3A_135 = arith.constant 1536 : index
    %get3A_136 = vector.load %arg3[%get3A_134, %get3A_135] : memref<1x8192xf32, #tpu.memory_space<vmem>>, vector<1x512xf32>
    %get3A_137 = arith.constant 0 : index
    %get3A_138 = arith.constant 1536 : index
    %get3A_139 = vector.load %arg4[%get3A_137, %get3A_138] : memref<1x8192xf32, #tpu.memory_space<vmem>>, vector<1x512xf32>
    %add3A_140 = vector.broadcast %get3A_8 : vector<512x1xf32> to vector<512x512xf32>
    %add3A_141 = vector.broadcast %get3A_136 : vector<1x512xf32> to vector<512x512xf32>
    %add3A_142 = arith.addf %add3A_140, %add3A_141 : vector<512x512xf32>
    %add3A_143 = arith.addf %add3A_142, %dot_general3A_133 : vector<512x512xf32>
    %slice3A_144 = vector.extract_strided_slice %add3A_143 {offsets = [0, 0], sizes = [512, 128], strides = [1, 1]} : vector<512x512xf32> to vector<512x128xf32>
    %slice3A_145 = vector.extract_strided_slice %get3A_139 {offsets = [0, 0], sizes = [1, 128], strides = [1, 1]} : vector<1x512xf32> to vector<1x128xf32>
    %broadcast_in_dim3A_146 = vector.shape_cast %slice3A_145 : vector<1x128xf32> to vector<1x128xf32>
    %broadcast_in_dim3A_147 = vector.broadcast %broadcast_in_dim3A_146 : vector<1x128xf32> to vector<512x128xf32>
    %slice3A_148 = vector.extract_strided_slice %add3A_143 {offsets = [0, 128], sizes = [512, 128], strides = [1, 1]} : vector<512x512xf32> to vector<512x128xf32>
    %slice3A_149 = vector.extract_strided_slice %get3A_139 {offsets = [0, 128], sizes = [1, 128], strides = [1, 1]} : vector<1x512xf32> to vector<1x128xf32>
    %broadcast_in_dim3A_150 = vector.shape_cast %slice3A_149 : vector<1x128xf32> to vector<1x128xf32>
    %broadcast_in_dim3A_151 = vector.broadcast %broadcast_in_dim3A_150 : vector<1x128xf32> to vector<512x128xf32>
    %lt3A_152 = arith.cmpf olt, %slice3A_148, %slice3A_144 : vector<512x128xf32>
    %select_n3A_153 = arith.select %lt3A_152, %broadcast_in_dim3A_151, %broadcast_in_dim3A_147 : vector<512x128xi1>, vector<512x128xf32>
    %select_n3A_154 = arith.select %lt3A_152, %slice3A_148, %slice3A_144 : vector<512x128xi1>, vector<512x128xf32>
    %slice3A_155 = vector.extract_strided_slice %add3A_143 {offsets = [0, 256], sizes = [512, 128], strides = [1, 1]} : vector<512x512xf32> to vector<512x128xf32>
    %slice3A_156 = vector.extract_strided_slice %get3A_139 {offsets = [0, 256], sizes = [1, 128], strides = [1, 1]} : vector<1x512xf32> to vector<1x128xf32>
    %broadcast_in_dim3A_157 = vector.shape_cast %slice3A_156 : vector<1x128xf32> to vector<1x128xf32>
    %broadcast_in_dim3A_158 = vector.broadcast %broadcast_in_dim3A_157 : vector<1x128xf32> to vector<512x128xf32>
    %lt3A_159 = arith.cmpf olt, %slice3A_155, %select_n3A_154 : vector<512x128xf32>
    %select_n3A_160 = arith.select %lt3A_159, %broadcast_in_dim3A_158, %select_n3A_153 : vector<512x128xi1>, vector<512x128xf32>
    %select_n3A_161 = arith.select %lt3A_159, %slice3A_155, %select_n3A_154 : vector<512x128xi1>, vector<512x128xf32>
    %slice3A_162 = vector.extract_strided_slice %add3A_143 {offsets = [0, 384], sizes = [512, 128], strides = [1, 1]} : vector<512x512xf32> to vector<512x128xf32>
    %slice3A_163 = vector.extract_strided_slice %get3A_139 {offsets = [0, 384], sizes = [1, 128], strides = [1, 1]} : vector<1x512xf32> to vector<1x128xf32>
    %broadcast_in_dim3A_164 = vector.shape_cast %slice3A_163 : vector<1x128xf32> to vector<1x128xf32>
    %broadcast_in_dim3A_165 = vector.broadcast %broadcast_in_dim3A_164 : vector<1x128xf32> to vector<512x128xf32>
    %lt3A_166 = arith.cmpf olt, %slice3A_162, %select_n3A_161 : vector<512x128xf32>
    %select_n3A_167 = arith.select %lt3A_166, %broadcast_in_dim3A_165, %select_n3A_160 : vector<512x128xi1>, vector<512x128xf32>
    %select_n3A_168 = arith.select %lt3A_166, %slice3A_162, %select_n3A_161 : vector<512x128xi1>, vector<512x128xf32>
    %lt3A_169 = arith.cmpf olt, %select_n3A_168, %select_n3A_128 : vector<512x128xf32>
    %select_n3A_170 = arith.select %lt3A_169, %select_n3A_167, %select_n3A_127 : vector<512x128xi1>, vector<512x128xf32>
    %select_n3A_171 = arith.select %lt3A_169, %select_n3A_168, %select_n3A_128 : vector<512x128xi1>, vector<512x128xf32>
    %get3A_172 = arith.constant 2048 : index
    %get3A_173 = arith.constant 0 : index
    %get3A_174 = vector.load %arg5[%get3A_172, %get3A_173] : memref<8192x256xf32, #tpu.memory_space<vmem>>, vector<512x256xf32>
    %dot_general3A_175 = arith.constant dense<0.000000e+00> : vector<512x512xf32>
    %dot_general3A_176 = tpu.matmul %mul3A_5, %get3A_174, %dot_general3A_175 {dimension_numbers = #tpu.dot_dimension_numbers<[0], [1], [1], [0], [0, 1, 1, 0], [], []>, transpose_lhs_hint = false} : vector<256x512xf32>, vector<512x256xf32>, vector<512x512xf32> -> vector<512x512xf32>
    %get3A_177 = arith.constant 0 : index
    %get3A_178 = arith.constant 2048 : index
    %get3A_179 = vector.load %arg3[%get3A_177, %get3A_178] : memref<1x8192xf32, #tpu.memory_space<vmem>>, vector<1x512xf32>
    %get3A_180 = arith.constant 0 : index
    %get3A_181 = arith.constant 2048 : index
    %get3A_182 = vector.load %arg4[%get3A_180, %get3A_181] : memref<1x8192xf32, #tpu.memory_space<vmem>>, vector<1x512xf32>
    %add3A_183 = vector.broadcast %get3A_8 : vector<512x1xf32> to vector<512x512xf32>
    %add3A_184 = vector.broadcast %get3A_179 : vector<1x512xf32> to vector<512x512xf32>
    %add3A_185 = arith.addf %add3A_183, %add3A_184 : vector<512x512xf32>
    %add3A_186 = arith.addf %add3A_185, %dot_general3A_176 : vector<512x512xf32>
    %slice3A_187 = vector.extract_strided_slice %add3A_186 {offsets = [0, 0], sizes = [512, 128], strides = [1, 1]} : vector<512x512xf32> to vector<512x128xf32>
    %slice3A_188 = vector.extract_strided_slice %get3A_182 {offsets = [0, 0], sizes = [1, 128], strides = [1, 1]} : vector<1x512xf32> to vector<1x128xf32>
    %broadcast_in_dim3A_189 = vector.shape_cast %slice3A_188 : vector<1x128xf32> to vector<1x128xf32>
    %broadcast_in_dim3A_190 = vector.broadcast %broadcast_in_dim3A_189 : vector<1x128xf32> to vector<512x128xf32>
    %slice3A_191 = vector.extract_strided_slice %add3A_186 {offsets = [0, 128], sizes = [512, 128], strides = [1, 1]} : vector<512x512xf32> to vector<512x128xf32>
    %slice3A_192 = vector.extract_strided_slice %get3A_182 {offsets = [0, 128], sizes = [1, 128], strides = [1, 1]} : vector<1x512xf32> to vector<1x128xf32>
    %broadcast_in_dim3A_193 = vector.shape_cast %slice3A_192 : vector<1x128xf32> to vector<1x128xf32>
    %broadcast_in_dim3A_194 = vector.broadcast %broadcast_in_dim3A_193 : vector<1x128xf32> to vector<512x128xf32>
    %lt3A_195 = arith.cmpf olt, %slice3A_191, %slice3A_187 : vector<512x128xf32>
    %select_n3A_196 = arith.select %lt3A_195, %broadcast_in_dim3A_194, %broadcast_in_dim3A_190 : vector<512x128xi1>, vector<512x128xf32>
    %select_n3A_197 = arith.select %lt3A_195, %slice3A_191, %slice3A_187 : vector<512x128xi1>, vector<512x128xf32>
    %slice3A_198 = vector.extract_strided_slice %add3A_186 {offsets = [0, 256], sizes = [512, 128], strides = [1, 1]} : vector<512x512xf32> to vector<512x128xf32>
    %slice3A_199 = vector.extract_strided_slice %get3A_182 {offsets = [0, 256], sizes = [1, 128], strides = [1, 1]} : vector<1x512xf32> to vector<1x128xf32>
    %broadcast_in_dim3A_200 = vector.shape_cast %slice3A_199 : vector<1x128xf32> to vector<1x128xf32>
    %broadcast_in_dim3A_201 = vector.broadcast %broadcast_in_dim3A_200 : vector<1x128xf32> to vector<512x128xf32>
    %lt3A_202 = arith.cmpf olt, %slice3A_198, %select_n3A_197 : vector<512x128xf32>
    %select_n3A_203 = arith.select %lt3A_202, %broadcast_in_dim3A_201, %select_n3A_196 : vector<512x128xi1>, vector<512x128xf32>
    %select_n3A_204 = arith.select %lt3A_202, %slice3A_198, %select_n3A_197 : vector<512x128xi1>, vector<512x128xf32>
    %slice3A_205 = vector.extract_strided_slice %add3A_186 {offsets = [0, 384], sizes = [512, 128], strides = [1, 1]} : vector<512x512xf32> to vector<512x128xf32>
    %slice3A_206 = vector.extract_strided_slice %get3A_182 {offsets = [0, 384], sizes = [1, 128], strides = [1, 1]} : vector<1x512xf32> to vector<1x128xf32>
    %broadcast_in_dim3A_207 = vector.shape_cast %slice3A_206 : vector<1x128xf32> to vector<1x128xf32>
    %broadcast_in_dim3A_208 = vector.broadcast %broadcast_in_dim3A_207 : vector<1x128xf32> to vector<512x128xf32>
    %lt3A_209 = arith.cmpf olt, %slice3A_205, %select_n3A_204 : vector<512x128xf32>
    %select_n3A_210 = arith.select %lt3A_209, %broadcast_in_dim3A_208, %select_n3A_203 : vector<512x128xi1>, vector<512x128xf32>
    %select_n3A_211 = arith.select %lt3A_209, %slice3A_205, %select_n3A_204 : vector<512x128xi1>, vector<512x128xf32>
    %lt3A_212 = arith.cmpf olt, %select_n3A_211, %select_n3A_171 : vector<512x128xf32>
    %select_n3A_213 = arith.select %lt3A_212, %select_n3A_210, %select_n3A_170 : vector<512x128xi1>, vector<512x128xf32>
    %select_n3A_214 = arith.select %lt3A_212, %select_n3A_211, %select_n3A_171 : vector<512x128xi1>, vector<512x128xf32>
    %get3A_215 = arith.constant 2560 : index
    %get3A_216 = arith.constant 0 : index
    %get3A_217 = vector.load %arg5[%get3A_215, %get3A_216] : memref<8192x256xf32, #tpu.memory_space<vmem>>, vector<512x256xf32>
    %dot_general3A_218 = arith.constant dense<0.000000e+00> : vector<512x512xf32>
    %dot_general3A_219 = tpu.matmul %mul3A_5, %get3A_217, %dot_general3A_218 {dimension_numbers = #tpu.dot_dimension_numbers<[0], [1], [1], [0], [0, 1, 1, 0], [], []>, transpose_lhs_hint = false} : vector<256x512xf32>, vector<512x256xf32>, vector<512x512xf32> -> vector<512x512xf32>
    %get3A_220 = arith.constant 0 : index
    %get3A_221 = arith.constant 2560 : index
    %get3A_222 = vector.load %arg3[%get3A_220, %get3A_221] : memref<1x8192xf32, #tpu.memory_space<vmem>>, vector<1x512xf32>
    %get3A_223 = arith.constant 0 : index
    %get3A_224 = arith.constant 2560 : index
    %get3A_225 = vector.load %arg4[%get3A_223, %get3A_224] : memref<1x8192xf32, #tpu.memory_space<vmem>>, vector<1x512xf32>
    %add3A_226 = vector.broadcast %get3A_8 : vector<512x1xf32> to vector<512x512xf32>
    %add3A_227 = vector.broadcast %get3A_222 : vector<1x512xf32> to vector<512x512xf32>
    %add3A_228 = arith.addf %add3A_226, %add3A_227 : vector<512x512xf32>
    %add3A_229 = arith.addf %add3A_228, %dot_general3A_219 : vector<512x512xf32>
    %slice3A_230 = vector.extract_strided_slice %add3A_229 {offsets = [0, 0], sizes = [512, 128], strides = [1, 1]} : vector<512x512xf32> to vector<512x128xf32>
    %slice3A_231 = vector.extract_strided_slice %get3A_225 {offsets = [0, 0], sizes = [1, 128], strides = [1, 1]} : vector<1x512xf32> to vector<1x128xf32>
    %broadcast_in_dim3A_232 = vector.shape_cast %slice3A_231 : vector<1x128xf32> to vector<1x128xf32>
    %broadcast_in_dim3A_233 = vector.broadcast %broadcast_in_dim3A_232 : vector<1x128xf32> to vector<512x128xf32>
    %slice3A_234 = vector.extract_strided_slice %add3A_229 {offsets = [0, 128], sizes = [512, 128], strides = [1, 1]} : vector<512x512xf32> to vector<512x128xf32>
    %slice3A_235 = vector.extract_strided_slice %get3A_225 {offsets = [0, 128], sizes = [1, 128], strides = [1, 1]} : vector<1x512xf32> to vector<1x128xf32>
    %broadcast_in_dim3A_236 = vector.shape_cast %slice3A_235 : vector<1x128xf32> to vector<1x128xf32>
    %broadcast_in_dim3A_237 = vector.broadcast %broadcast_in_dim3A_236 : vector<1x128xf32> to vector<512x128xf32>
    %lt3A_238 = arith.cmpf olt, %slice3A_234, %slice3A_230 : vector<512x128xf32>
    %select_n3A_239 = arith.select %lt3A_238, %broadcast_in_dim3A_237, %broadcast_in_dim3A_233 : vector<512x128xi1>, vector<512x128xf32>
    %select_n3A_240 = arith.select %lt3A_238, %slice3A_234, %slice3A_230 : vector<512x128xi1>, vector<512x128xf32>
    %slice3A_241 = vector.extract_strided_slice %add3A_229 {offsets = [0, 256], sizes = [512, 128], strides = [1, 1]} : vector<512x512xf32> to vector<512x128xf32>
    %slice3A_242 = vector.extract_strided_slice %get3A_225 {offsets = [0, 256], sizes = [1, 128], strides = [1, 1]} : vector<1x512xf32> to vector<1x128xf32>
    %broadcast_in_dim3A_243 = vector.shape_cast %slice3A_242 : vector<1x128xf32> to vector<1x128xf32>
    %broadcast_in_dim3A_244 = vector.broadcast %broadcast_in_dim3A_243 : vector<1x128xf32> to vector<512x128xf32>
    %lt3A_245 = arith.cmpf olt, %slice3A_241, %select_n3A_240 : vector<512x128xf32>
    %select_n3A_246 = arith.select %lt3A_245, %broadcast_in_dim3A_244, %select_n3A_239 : vector<512x128xi1>, vector<512x128xf32>
    %select_n3A_247 = arith.select %lt3A_245, %slice3A_241, %select_n3A_240 : vector<512x128xi1>, vector<512x128xf32>
    %slice3A_248 = vector.extract_strided_slice %add3A_229 {offsets = [0, 384], sizes = [512, 128], strides = [1, 1]} : vector<512x512xf32> to vector<512x128xf32>
    %slice3A_249 = vector.extract_strided_slice %get3A_225 {offsets = [0, 384], sizes = [1, 128], strides = [1, 1]} : vector<1x512xf32> to vector<1x128xf32>
    %broadcast_in_dim3A_250 = vector.shape_cast %slice3A_249 : vector<1x128xf32> to vector<1x128xf32>
    %broadcast_in_dim3A_251 = vector.broadcast %broadcast_in_dim3A_250 : vector<1x128xf32> to vector<512x128xf32>
    %lt3A_252 = arith.cmpf olt, %slice3A_248, %select_n3A_247 : vector<512x128xf32>
    %select_n3A_253 = arith.select %lt3A_252, %broadcast_in_dim3A_251, %select_n3A_246 : vector<512x128xi1>, vector<512x128xf32>
    %select_n3A_254 = arith.select %lt3A_252, %slice3A_248, %select_n3A_247 : vector<512x128xi1>, vector<512x128xf32>
    %lt3A_255 = arith.cmpf olt, %select_n3A_254, %select_n3A_214 : vector<512x128xf32>
    %select_n3A_256 = arith.select %lt3A_255, %select_n3A_253, %select_n3A_213 : vector<512x128xi1>, vector<512x128xf32>
    %select_n3A_257 = arith.select %lt3A_255, %select_n3A_254, %select_n3A_214 : vector<512x128xi1>, vector<512x128xf32>
    %get3A_258 = arith.constant 3072 : index
    %get3A_259 = arith.constant 0 : index
    %get3A_260 = vector.load %arg5[%get3A_258, %get3A_259] : memref<8192x256xf32, #tpu.memory_space<vmem>>, vector<512x256xf32>
    %dot_general3A_261 = arith.constant dense<0.000000e+00> : vector<512x512xf32>
    %dot_general3A_262 = tpu.matmul %mul3A_5, %get3A_260, %dot_general3A_261 {dimension_numbers = #tpu.dot_dimension_numbers<[0], [1], [1], [0], [0, 1, 1, 0], [], []>, transpose_lhs_hint = false} : vector<256x512xf32>, vector<512x256xf32>, vector<512x512xf32> -> vector<512x512xf32>
    %get3A_263 = arith.constant 0 : index
    %get3A_264 = arith.constant 3072 : index
    %get3A_265 = vector.load %arg3[%get3A_263, %get3A_264] : memref<1x8192xf32, #tpu.memory_space<vmem>>, vector<1x512xf32>
    %get3A_266 = arith.constant 0 : index
    %get3A_267 = arith.constant 3072 : index
    %get3A_268 = vector.load %arg4[%get3A_266, %get3A_267] : memref<1x8192xf32, #tpu.memory_space<vmem>>, vector<1x512xf32>
    %add3A_269 = vector.broadcast %get3A_8 : vector<512x1xf32> to vector<512x512xf32>
    %add3A_270 = vector.broadcast %get3A_265 : vector<1x512xf32> to vector<512x512xf32>
    %add3A_271 = arith.addf %add3A_269, %add3A_270 : vector<512x512xf32>
    %add3A_272 = arith.addf %add3A_271, %dot_general3A_262 : vector<512x512xf32>
    %slice3A_273 = vector.extract_strided_slice %add3A_272 {offsets = [0, 0], sizes = [512, 128], strides = [1, 1]} : vector<512x512xf32> to vector<512x128xf32>
    %slice3A_274 = vector.extract_strided_slice %get3A_268 {offsets = [0, 0], sizes = [1, 128], strides = [1, 1]} : vector<1x512xf32> to vector<1x128xf32>
    %broadcast_in_dim3A_275 = vector.shape_cast %slice3A_274 : vector<1x128xf32> to vector<1x128xf32>
    %broadcast_in_dim3A_276 = vector.broadcast %broadcast_in_dim3A_275 : vector<1x128xf32> to vector<512x128xf32>
    %slice3A_277 = vector.extract_strided_slice %add3A_272 {offsets = [0, 128], sizes = [512, 128], strides = [1, 1]} : vector<512x512xf32> to vector<512x128xf32>
    %slice3A_278 = vector.extract_strided_slice %get3A_268 {offsets = [0, 128], sizes = [1, 128], strides = [1, 1]} : vector<1x512xf32> to vector<1x128xf32>
    %broadcast_in_dim3A_279 = vector.shape_cast %slice3A_278 : vector<1x128xf32> to vector<1x128xf32>
    %broadcast_in_dim3A_280 = vector.broadcast %broadcast_in_dim3A_279 : vector<1x128xf32> to vector<512x128xf32>
    %lt3A_281 = arith.cmpf olt, %slice3A_277, %slice3A_273 : vector<512x128xf32>
    %select_n3A_282 = arith.select %lt3A_281, %broadcast_in_dim3A_280, %broadcast_in_dim3A_276 : vector<512x128xi1>, vector<512x128xf32>
    %select_n3A_283 = arith.select %lt3A_281, %slice3A_277, %slice3A_273 : vector<512x128xi1>, vector<512x128xf32>
    %slice3A_284 = vector.extract_strided_slice %add3A_272 {offsets = [0, 256], sizes = [512, 128], strides = [1, 1]} : vector<512x512xf32> to vector<512x128xf32>
    %slice3A_285 = vector.extract_strided_slice %get3A_268 {offsets = [0, 256], sizes = [1, 128], strides = [1, 1]} : vector<1x512xf32> to vector<1x128xf32>
    %broadcast_in_dim3A_286 = vector.shape_cast %slice3A_285 : vector<1x128xf32> to vector<1x128xf32>
    %broadcast_in_dim3A_287 = vector.broadcast %broadcast_in_dim3A_286 : vector<1x128xf32> to vector<512x128xf32>
    %lt3A_288 = arith.cmpf olt, %slice3A_284, %select_n3A_283 : vector<512x128xf32>
    %select_n3A_289 = arith.select %lt3A_288, %broadcast_in_dim3A_287, %select_n3A_282 : vector<512x128xi1>, vector<512x128xf32>
    %select_n3A_290 = arith.select %lt3A_288, %slice3A_284, %select_n3A_283 : vector<512x128xi1>, vector<512x128xf32>
    %slice3A_291 = vector.extract_strided_slice %add3A_272 {offsets = [0, 384], sizes = [512, 128], strides = [1, 1]} : vector<512x512xf32> to vector<512x128xf32>
    %slice3A_292 = vector.extract_strided_slice %get3A_268 {offsets = [0, 384], sizes = [1, 128], strides = [1, 1]} : vector<1x512xf32> to vector<1x128xf32>
    %broadcast_in_dim3A_293 = vector.shape_cast %slice3A_292 : vector<1x128xf32> to vector<1x128xf32>
    %broadcast_in_dim3A_294 = vector.broadcast %broadcast_in_dim3A_293 : vector<1x128xf32> to vector<512x128xf32>
    %lt3A_295 = arith.cmpf olt, %slice3A_291, %select_n3A_290 : vector<512x128xf32>
    %select_n3A_296 = arith.select %lt3A_295, %broadcast_in_dim3A_294, %select_n3A_289 : vector<512x128xi1>, vector<512x128xf32>
    %select_n3A_297 = arith.select %lt3A_295, %slice3A_291, %select_n3A_290 : vector<512x128xi1>, vector<512x128xf32>
    %lt3A_298 = arith.cmpf olt, %select_n3A_297, %select_n3A_257 : vector<512x128xf32>
    %select_n3A_299 = arith.select %lt3A_298, %select_n3A_296, %select_n3A_256 : vector<512x128xi1>, vector<512x128xf32>
    %select_n3A_300 = arith.select %lt3A_298, %select_n3A_297, %select_n3A_257 : vector<512x128xi1>, vector<512x128xf32>
    %get3A_301 = arith.constant 3584 : index
    %get3A_302 = arith.constant 0 : index
    %get3A_303 = vector.load %arg5[%get3A_301, %get3A_302] : memref<8192x256xf32, #tpu.memory_space<vmem>>, vector<512x256xf32>
    %dot_general3A_304 = arith.constant dense<0.000000e+00> : vector<512x512xf32>
    %dot_general3A_305 = tpu.matmul %mul3A_5, %get3A_303, %dot_general3A_304 {dimension_numbers = #tpu.dot_dimension_numbers<[0], [1], [1], [0], [0, 1, 1, 0], [], []>, transpose_lhs_hint = false} : vector<256x512xf32>, vector<512x256xf32>, vector<512x512xf32> -> vector<512x512xf32>
    %get3A_306 = arith.constant 0 : index
    %get3A_307 = arith.constant 3584 : index
    %get3A_308 = vector.load %arg3[%get3A_306, %get3A_307] : memref<1x8192xf32, #tpu.memory_space<vmem>>, vector<1x512xf32>
    %get3A_309 = arith.constant 0 : index
    %get3A_310 = arith.constant 3584 : index
    %get3A_311 = vector.load %arg4[%get3A_309, %get3A_310] : memref<1x8192xf32, #tpu.memory_space<vmem>>, vector<1x512xf32>
    %add3A_312 = vector.broadcast %get3A_8 : vector<512x1xf32> to vector<512x512xf32>
    %add3A_313 = vector.broadcast %get3A_308 : vector<1x512xf32> to vector<512x512xf32>
    %add3A_314 = arith.addf %add3A_312, %add3A_313 : vector<512x512xf32>
    %add3A_315 = arith.addf %add3A_314, %dot_general3A_305 : vector<512x512xf32>
    %slice3A_316 = vector.extract_strided_slice %add3A_315 {offsets = [0, 0], sizes = [512, 128], strides = [1, 1]} : vector<512x512xf32> to vector<512x128xf32>
    %slice3A_317 = vector.extract_strided_slice %get3A_311 {offsets = [0, 0], sizes = [1, 128], strides = [1, 1]} : vector<1x512xf32> to vector<1x128xf32>
    %broadcast_in_dim3A_318 = vector.shape_cast %slice3A_317 : vector<1x128xf32> to vector<1x128xf32>
    %broadcast_in_dim3A_319 = vector.broadcast %broadcast_in_dim3A_318 : vector<1x128xf32> to vector<512x128xf32>
    %slice3A_320 = vector.extract_strided_slice %add3A_315 {offsets = [0, 128], sizes = [512, 128], strides = [1, 1]} : vector<512x512xf32> to vector<512x128xf32>
    %slice3A_321 = vector.extract_strided_slice %get3A_311 {offsets = [0, 128], sizes = [1, 128], strides = [1, 1]} : vector<1x512xf32> to vector<1x128xf32>
    %broadcast_in_dim3A_322 = vector.shape_cast %slice3A_321 : vector<1x128xf32> to vector<1x128xf32>
    %broadcast_in_dim3A_323 = vector.broadcast %broadcast_in_dim3A_322 : vector<1x128xf32> to vector<512x128xf32>
    %lt3A_324 = arith.cmpf olt, %slice3A_320, %slice3A_316 : vector<512x128xf32>
    %select_n3A_325 = arith.select %lt3A_324, %broadcast_in_dim3A_323, %broadcast_in_dim3A_319 : vector<512x128xi1>, vector<512x128xf32>
    %select_n3A_326 = arith.select %lt3A_324, %slice3A_320, %slice3A_316 : vector<512x128xi1>, vector<512x128xf32>
    %slice3A_327 = vector.extract_strided_slice %add3A_315 {offsets = [0, 256], sizes = [512, 128], strides = [1, 1]} : vector<512x512xf32> to vector<512x128xf32>
    %slice3A_328 = vector.extract_strided_slice %get3A_311 {offsets = [0, 256], sizes = [1, 128], strides = [1, 1]} : vector<1x512xf32> to vector<1x128xf32>
    %broadcast_in_dim3A_329 = vector.shape_cast %slice3A_328 : vector<1x128xf32> to vector<1x128xf32>
    %broadcast_in_dim3A_330 = vector.broadcast %broadcast_in_dim3A_329 : vector<1x128xf32> to vector<512x128xf32>
    %lt3A_331 = arith.cmpf olt, %slice3A_327, %select_n3A_326 : vector<512x128xf32>
    %select_n3A_332 = arith.select %lt3A_331, %broadcast_in_dim3A_330, %select_n3A_325 : vector<512x128xi1>, vector<512x128xf32>
    %select_n3A_333 = arith.select %lt3A_331, %slice3A_327, %select_n3A_326 : vector<512x128xi1>, vector<512x128xf32>
    %slice3A_334 = vector.extract_strided_slice %add3A_315 {offsets = [0, 384], sizes = [512, 128], strides = [1, 1]} : vector<512x512xf32> to vector<512x128xf32>
    %slice3A_335 = vector.extract_strided_slice %get3A_311 {offsets = [0, 384], sizes = [1, 128], strides = [1, 1]} : vector<1x512xf32> to vector<1x128xf32>
    %broadcast_in_dim3A_336 = vector.shape_cast %slice3A_335 : vector<1x128xf32> to vector<1x128xf32>
    %broadcast_in_dim3A_337 = vector.broadcast %broadcast_in_dim3A_336 : vector<1x128xf32> to vector<512x128xf32>
    %lt3A_338 = arith.cmpf olt, %slice3A_334, %select_n3A_333 : vector<512x128xf32>
    %select_n3A_339 = arith.select %lt3A_338, %broadcast_in_dim3A_337, %select_n3A_332 : vector<512x128xi1>, vector<512x128xf32>
    %select_n3A_340 = arith.select %lt3A_338, %slice3A_334, %select_n3A_333 : vector<512x128xi1>, vector<512x128xf32>
    %lt3A_341 = arith.cmpf olt, %select_n3A_340, %select_n3A_300 : vector<512x128xf32>
    %select_n3A_342 = arith.select %lt3A_341, %select_n3A_339, %select_n3A_299 : vector<512x128xi1>, vector<512x128xf32>
    %select_n3A_343 = arith.select %lt3A_341, %select_n3A_340, %select_n3A_300 : vector<512x128xi1>, vector<512x128xf32>
    %get3A_344 = arith.constant 4096 : index
    %get3A_345 = arith.constant 0 : index
    %get3A_346 = vector.load %arg5[%get3A_344, %get3A_345] : memref<8192x256xf32, #tpu.memory_space<vmem>>, vector<512x256xf32>
    %dot_general3A_347 = arith.constant dense<0.000000e+00> : vector<512x512xf32>
    %dot_general3A_348 = tpu.matmul %mul3A_5, %get3A_346, %dot_general3A_347 {dimension_numbers = #tpu.dot_dimension_numbers<[0], [1], [1], [0], [0, 1, 1, 0], [], []>, transpose_lhs_hint = false} : vector<256x512xf32>, vector<512x256xf32>, vector<512x512xf32> -> vector<512x512xf32>
    %get3A_349 = arith.constant 0 : index
    %get3A_350 = arith.constant 4096 : index
    %get3A_351 = vector.load %arg3[%get3A_349, %get3A_350] : memref<1x8192xf32, #tpu.memory_space<vmem>>, vector<1x512xf32>
    %get3A_352 = arith.constant 0 : index
    %get3A_353 = arith.constant 4096 : index
    %get3A_354 = vector.load %arg4[%get3A_352, %get3A_353] : memref<1x8192xf32, #tpu.memory_space<vmem>>, vector<1x512xf32>
    %add3A_355 = vector.broadcast %get3A_8 : vector<512x1xf32> to vector<512x512xf32>
    %add3A_356 = vector.broadcast %get3A_351 : vector<1x512xf32> to vector<512x512xf32>
    %add3A_357 = arith.addf %add3A_355, %add3A_356 : vector<512x512xf32>
    %add3A_358 = arith.addf %add3A_357, %dot_general3A_348 : vector<512x512xf32>
    %slice3A_359 = vector.extract_strided_slice %add3A_358 {offsets = [0, 0], sizes = [512, 128], strides = [1, 1]} : vector<512x512xf32> to vector<512x128xf32>
    %slice3A_360 = vector.extract_strided_slice %get3A_354 {offsets = [0, 0], sizes = [1, 128], strides = [1, 1]} : vector<1x512xf32> to vector<1x128xf32>
    %broadcast_in_dim3A_361 = vector.shape_cast %slice3A_360 : vector<1x128xf32> to vector<1x128xf32>
    %broadcast_in_dim3A_362 = vector.broadcast %broadcast_in_dim3A_361 : vector<1x128xf32> to vector<512x128xf32>
    %slice3A_363 = vector.extract_strided_slice %add3A_358 {offsets = [0, 128], sizes = [512, 128], strides = [1, 1]} : vector<512x512xf32> to vector<512x128xf32>
    %slice3A_364 = vector.extract_strided_slice %get3A_354 {offsets = [0, 128], sizes = [1, 128], strides = [1, 1]} : vector<1x512xf32> to vector<1x128xf32>
    %broadcast_in_dim3A_365 = vector.shape_cast %slice3A_364 : vector<1x128xf32> to vector<1x128xf32>
    %broadcast_in_dim3A_366 = vector.broadcast %broadcast_in_dim3A_365 : vector<1x128xf32> to vector<512x128xf32>
    %lt3A_367 = arith.cmpf olt, %slice3A_363, %slice3A_359 : vector<512x128xf32>
    %select_n3A_368 = arith.select %lt3A_367, %broadcast_in_dim3A_366, %broadcast_in_dim3A_362 : vector<512x128xi1>, vector<512x128xf32>
    %select_n3A_369 = arith.select %lt3A_367, %slice3A_363, %slice3A_359 : vector<512x128xi1>, vector<512x128xf32>
    %slice3A_370 = vector.extract_strided_slice %add3A_358 {offsets = [0, 256], sizes = [512, 128], strides = [1, 1]} : vector<512x512xf32> to vector<512x128xf32>
    %slice3A_371 = vector.extract_strided_slice %get3A_354 {offsets = [0, 256], sizes = [1, 128], strides = [1, 1]} : vector<1x512xf32> to vector<1x128xf32>
    %broadcast_in_dim3A_372 = vector.shape_cast %slice3A_371 : vector<1x128xf32> to vector<1x128xf32>
    %broadcast_in_dim3A_373 = vector.broadcast %broadcast_in_dim3A_372 : vector<1x128xf32> to vector<512x128xf32>
    %lt3A_374 = arith.cmpf olt, %slice3A_370, %select_n3A_369 : vector<512x128xf32>
    %select_n3A_375 = arith.select %lt3A_374, %broadcast_in_dim3A_373, %select_n3A_368 : vector<512x128xi1>, vector<512x128xf32>
    %select_n3A_376 = arith.select %lt3A_374, %slice3A_370, %select_n3A_369 : vector<512x128xi1>, vector<512x128xf32>
    %slice3A_377 = vector.extract_strided_slice %add3A_358 {offsets = [0, 384], sizes = [512, 128], strides = [1, 1]} : vector<512x512xf32> to vector<512x128xf32>
    %slice3A_378 = vector.extract_strided_slice %get3A_354 {offsets = [0, 384], sizes = [1, 128], strides = [1, 1]} : vector<1x512xf32> to vector<1x128xf32>
    %broadcast_in_dim3A_379 = vector.shape_cast %slice3A_378 : vector<1x128xf32> to vector<1x128xf32>
    %broadcast_in_dim3A_380 = vector.broadcast %broadcast_in_dim3A_379 : vector<1x128xf32> to vector<512x128xf32>
    %lt3A_381 = arith.cmpf olt, %slice3A_377, %select_n3A_376 : vector<512x128xf32>
    %select_n3A_382 = arith.select %lt3A_381, %broadcast_in_dim3A_380, %select_n3A_375 : vector<512x128xi1>, vector<512x128xf32>
    %select_n3A_383 = arith.select %lt3A_381, %slice3A_377, %select_n3A_376 : vector<512x128xi1>, vector<512x128xf32>
    %lt3A_384 = arith.cmpf olt, %select_n3A_383, %select_n3A_343 : vector<512x128xf32>
    %select_n3A_385 = arith.select %lt3A_384, %select_n3A_382, %select_n3A_342 : vector<512x128xi1>, vector<512x128xf32>
    %select_n3A_386 = arith.select %lt3A_384, %select_n3A_383, %select_n3A_343 : vector<512x128xi1>, vector<512x128xf32>
    %get3A_387 = arith.constant 4608 : index
    %get3A_388 = arith.constant 0 : index
    %get3A_389 = vector.load %arg5[%get3A_387, %get3A_388] : memref<8192x256xf32, #tpu.memory_space<vmem>>, vector<512x256xf32>
    %dot_general3A_390 = arith.constant dense<0.000000e+00> : vector<512x512xf32>
    %dot_general3A_391 = tpu.matmul %mul3A_5, %get3A_389, %dot_general3A_390 {dimension_numbers = #tpu.dot_dimension_numbers<[0], [1], [1], [0], [0, 1, 1, 0], [], []>, transpose_lhs_hint = false} : vector<256x512xf32>, vector<512x256xf32>, vector<512x512xf32> -> vector<512x512xf32>
    %get3A_392 = arith.constant 0 : index
    %get3A_393 = arith.constant 4608 : index
    %get3A_394 = vector.load %arg3[%get3A_392, %get3A_393] : memref<1x8192xf32, #tpu.memory_space<vmem>>, vector<1x512xf32>
    %get3A_395 = arith.constant 0 : index
    %get3A_396 = arith.constant 4608 : index
    %get3A_397 = vector.load %arg4[%get3A_395, %get3A_396] : memref<1x8192xf32, #tpu.memory_space<vmem>>, vector<1x512xf32>
    %add3A_398 = vector.broadcast %get3A_8 : vector<512x1xf32> to vector<512x512xf32>
    %add3A_399 = vector.broadcast %get3A_394 : vector<1x512xf32> to vector<512x512xf32>
    %add3A_400 = arith.addf %add3A_398, %add3A_399 : vector<512x512xf32>
    %add3A_401 = arith.addf %add3A_400, %dot_general3A_391 : vector<512x512xf32>
    %slice3A_402 = vector.extract_strided_slice %add3A_401 {offsets = [0, 0], sizes = [512, 128], strides = [1, 1]} : vector<512x512xf32> to vector<512x128xf32>
    %slice3A_403 = vector.extract_strided_slice %get3A_397 {offsets = [0, 0], sizes = [1, 128], strides = [1, 1]} : vector<1x512xf32> to vector<1x128xf32>
    %broadcast_in_dim3A_404 = vector.shape_cast %slice3A_403 : vector<1x128xf32> to vector<1x128xf32>
    %broadcast_in_dim3A_405 = vector.broadcast %broadcast_in_dim3A_404 : vector<1x128xf32> to vector<512x128xf32>
    %slice3A_406 = vector.extract_strided_slice %add3A_401 {offsets = [0, 128], sizes = [512, 128], strides = [1, 1]} : vector<512x512xf32> to vector<512x128xf32>
    %slice3A_407 = vector.extract_strided_slice %get3A_397 {offsets = [0, 128], sizes = [1, 128], strides = [1, 1]} : vector<1x512xf32> to vector<1x128xf32>
    %broadcast_in_dim3A_408 = vector.shape_cast %slice3A_407 : vector<1x128xf32> to vector<1x128xf32>
    %broadcast_in_dim3A_409 = vector.broadcast %broadcast_in_dim3A_408 : vector<1x128xf32> to vector<512x128xf32>
    %lt3A_410 = arith.cmpf olt, %slice3A_406, %slice3A_402 : vector<512x128xf32>
    %select_n3A_411 = arith.select %lt3A_410, %broadcast_in_dim3A_409, %broadcast_in_dim3A_405 : vector<512x128xi1>, vector<512x128xf32>
    %select_n3A_412 = arith.select %lt3A_410, %slice3A_406, %slice3A_402 : vector<512x128xi1>, vector<512x128xf32>
    %slice3A_413 = vector.extract_strided_slice %add3A_401 {offsets = [0, 256], sizes = [512, 128], strides = [1, 1]} : vector<512x512xf32> to vector<512x128xf32>
    %slice3A_414 = vector.extract_strided_slice %get3A_397 {offsets = [0, 256], sizes = [1, 128], strides = [1, 1]} : vector<1x512xf32> to vector<1x128xf32>
    %broadcast_in_dim3A_415 = vector.shape_cast %slice3A_414 : vector<1x128xf32> to vector<1x128xf32>
    %broadcast_in_dim3A_416 = vector.broadcast %broadcast_in_dim3A_415 : vector<1x128xf32> to vector<512x128xf32>
    %lt3A_417 = arith.cmpf olt, %slice3A_413, %select_n3A_412 : vector<512x128xf32>
    %select_n3A_418 = arith.select %lt3A_417, %broadcast_in_dim3A_416, %select_n3A_411 : vector<512x128xi1>, vector<512x128xf32>
    %select_n3A_419 = arith.select %lt3A_417, %slice3A_413, %select_n3A_412 : vector<512x128xi1>, vector<512x128xf32>
    %slice3A_420 = vector.extract_strided_slice %add3A_401 {offsets = [0, 384], sizes = [512, 128], strides = [1, 1]} : vector<512x512xf32> to vector<512x128xf32>
    %slice3A_421 = vector.extract_strided_slice %get3A_397 {offsets = [0, 384], sizes = [1, 128], strides = [1, 1]} : vector<1x512xf32> to vector<1x128xf32>
    %broadcast_in_dim3A_422 = vector.shape_cast %slice3A_421 : vector<1x128xf32> to vector<1x128xf32>
    %broadcast_in_dim3A_423 = vector.broadcast %broadcast_in_dim3A_422 : vector<1x128xf32> to vector<512x128xf32>
    %lt3A_424 = arith.cmpf olt, %slice3A_420, %select_n3A_419 : vector<512x128xf32>
    %select_n3A_425 = arith.select %lt3A_424, %broadcast_in_dim3A_423, %select_n3A_418 : vector<512x128xi1>, vector<512x128xf32>
    %select_n3A_426 = arith.select %lt3A_424, %slice3A_420, %select_n3A_419 : vector<512x128xi1>, vector<512x128xf32>
    %lt3A_427 = arith.cmpf olt, %select_n3A_426, %select_n3A_386 : vector<512x128xf32>
    %select_n3A_428 = arith.select %lt3A_427, %select_n3A_425, %select_n3A_385 : vector<512x128xi1>, vector<512x128xf32>
    %select_n3A_429 = arith.select %lt3A_427, %select_n3A_426, %select_n3A_386 : vector<512x128xi1>, vector<512x128xf32>
    %get3A_430 = arith.constant 5120 : index
    %get3A_431 = arith.constant 0 : index
    %get3A_432 = vector.load %arg5[%get3A_430, %get3A_431] : memref<8192x256xf32, #tpu.memory_space<vmem>>, vector<512x256xf32>
    %dot_general3A_433 = arith.constant dense<0.000000e+00> : vector<512x512xf32>
    %dot_general3A_434 = tpu.matmul %mul3A_5, %get3A_432, %dot_general3A_433 {dimension_numbers = #tpu.dot_dimension_numbers<[0], [1], [1], [0], [0, 1, 1, 0], [], []>, transpose_lhs_hint = false} : vector<256x512xf32>, vector<512x256xf32>, vector<512x512xf32> -> vector<512x512xf32>
    %get3A_435 = arith.constant 0 : index
    %get3A_436 = arith.constant 5120 : index
    %get3A_437 = vector.load %arg3[%get3A_435, %get3A_436] : memref<1x8192xf32, #tpu.memory_space<vmem>>, vector<1x512xf32>
    %get3A_438 = arith.constant 0 : index
    %get3A_439 = arith.constant 5120 : index
    %get3A_440 = vector.load %arg4[%get3A_438, %get3A_439] : memref<1x8192xf32, #tpu.memory_space<vmem>>, vector<1x512xf32>
    %add3A_441 = vector.broadcast %get3A_8 : vector<512x1xf32> to vector<512x512xf32>
    %add3A_442 = vector.broadcast %get3A_437 : vector<1x512xf32> to vector<512x512xf32>
    %add3A_443 = arith.addf %add3A_441, %add3A_442 : vector<512x512xf32>
    %add3A_444 = arith.addf %add3A_443, %dot_general3A_434 : vector<512x512xf32>
    %slice3A_445 = vector.extract_strided_slice %add3A_444 {offsets = [0, 0], sizes = [512, 128], strides = [1, 1]} : vector<512x512xf32> to vector<512x128xf32>
    %slice3A_446 = vector.extract_strided_slice %get3A_440 {offsets = [0, 0], sizes = [1, 128], strides = [1, 1]} : vector<1x512xf32> to vector<1x128xf32>
    %broadcast_in_dim3A_447 = vector.shape_cast %slice3A_446 : vector<1x128xf32> to vector<1x128xf32>
    %broadcast_in_dim3A_448 = vector.broadcast %broadcast_in_dim3A_447 : vector<1x128xf32> to vector<512x128xf32>
    %slice3A_449 = vector.extract_strided_slice %add3A_444 {offsets = [0, 128], sizes = [512, 128], strides = [1, 1]} : vector<512x512xf32> to vector<512x128xf32>
    %slice3A_450 = vector.extract_strided_slice %get3A_440 {offsets = [0, 128], sizes = [1, 128], strides = [1, 1]} : vector<1x512xf32> to vector<1x128xf32>
    %broadcast_in_dim3A_451 = vector.shape_cast %slice3A_450 : vector<1x128xf32> to vector<1x128xf32>
    %broadcast_in_dim3A_452 = vector.broadcast %broadcast_in_dim3A_451 : vector<1x128xf32> to vector<512x128xf32>
    %lt3A_453 = arith.cmpf olt, %slice3A_449, %slice3A_445 : vector<512x128xf32>
    %select_n3A_454 = arith.select %lt3A_453, %broadcast_in_dim3A_452, %broadcast_in_dim3A_448 : vector<512x128xi1>, vector<512x128xf32>
    %select_n3A_455 = arith.select %lt3A_453, %slice3A_449, %slice3A_445 : vector<512x128xi1>, vector<512x128xf32>
    %slice3A_456 = vector.extract_strided_slice %add3A_444 {offsets = [0, 256], sizes = [512, 128], strides = [1, 1]} : vector<512x512xf32> to vector<512x128xf32>
    %slice3A_457 = vector.extract_strided_slice %get3A_440 {offsets = [0, 256], sizes = [1, 128], strides = [1, 1]} : vector<1x512xf32> to vector<1x128xf32>
    %broadcast_in_dim3A_458 = vector.shape_cast %slice3A_457 : vector<1x128xf32> to vector<1x128xf32>
    %broadcast_in_dim3A_459 = vector.broadcast %broadcast_in_dim3A_458 : vector<1x128xf32> to vector<512x128xf32>
    %lt3A_460 = arith.cmpf olt, %slice3A_456, %select_n3A_455 : vector<512x128xf32>
    %select_n3A_461 = arith.select %lt3A_460, %broadcast_in_dim3A_459, %select_n3A_454 : vector<512x128xi1>, vector<512x128xf32>
    %select_n3A_462 = arith.select %lt3A_460, %slice3A_456, %select_n3A_455 : vector<512x128xi1>, vector<512x128xf32>
    %slice3A_463 = vector.extract_strided_slice %add3A_444 {offsets = [0, 384], sizes = [512, 128], strides = [1, 1]} : vector<512x512xf32> to vector<512x128xf32>
    %slice3A_464 = vector.extract_strided_slice %get3A_440 {offsets = [0, 384], sizes = [1, 128], strides = [1, 1]} : vector<1x512xf32> to vector<1x128xf32>
    %broadcast_in_dim3A_465 = vector.shape_cast %slice3A_464 : vector<1x128xf32> to vector<1x128xf32>
    %broadcast_in_dim3A_466 = vector.broadcast %broadcast_in_dim3A_465 : vector<1x128xf32> to vector<512x128xf32>
    %lt3A_467 = arith.cmpf olt, %slice3A_463, %select_n3A_462 : vector<512x128xf32>
    %select_n3A_468 = arith.select %lt3A_467, %broadcast_in_dim3A_466, %select_n3A_461 : vector<512x128xi1>, vector<512x128xf32>
    %select_n3A_469 = arith.select %lt3A_467, %slice3A_463, %select_n3A_462 : vector<512x128xi1>, vector<512x128xf32>
    %lt3A_470 = arith.cmpf olt, %select_n3A_469, %select_n3A_429 : vector<512x128xf32>
    %select_n3A_471 = arith.select %lt3A_470, %select_n3A_468, %select_n3A_428 : vector<512x128xi1>, vector<512x128xf32>
    %select_n3A_472 = arith.select %lt3A_470, %select_n3A_469, %select_n3A_429 : vector<512x128xi1>, vector<512x128xf32>
    %get3A_473 = arith.constant 5632 : index
    %get3A_474 = arith.constant 0 : index
    %get3A_475 = vector.load %arg5[%get3A_473, %get3A_474] : memref<8192x256xf32, #tpu.memory_space<vmem>>, vector<512x256xf32>
    %dot_general3A_476 = arith.constant dense<0.000000e+00> : vector<512x512xf32>
    %dot_general3A_477 = tpu.matmul %mul3A_5, %get3A_475, %dot_general3A_476 {dimension_numbers = #tpu.dot_dimension_numbers<[0], [1], [1], [0], [0, 1, 1, 0], [], []>, transpose_lhs_hint = false} : vector<256x512xf32>, vector<512x256xf32>, vector<512x512xf32> -> vector<512x512xf32>
    %get3A_478 = arith.constant 0 : index
    %get3A_479 = arith.constant 5632 : index
    %get3A_480 = vector.load %arg3[%get3A_478, %get3A_479] : memref<1x8192xf32, #tpu.memory_space<vmem>>, vector<1x512xf32>
    %get3A_481 = arith.constant 0 : index
    %get3A_482 = arith.constant 5632 : index
    %get3A_483 = vector.load %arg4[%get3A_481, %get3A_482] : memref<1x8192xf32, #tpu.memory_space<vmem>>, vector<1x512xf32>
    %add3A_484 = vector.broadcast %get3A_8 : vector<512x1xf32> to vector<512x512xf32>
    %add3A_485 = vector.broadcast %get3A_480 : vector<1x512xf32> to vector<512x512xf32>
    %add3A_486 = arith.addf %add3A_484, %add3A_485 : vector<512x512xf32>
    %add3A_487 = arith.addf %add3A_486, %dot_general3A_477 : vector<512x512xf32>
    %slice3A_488 = vector.extract_strided_slice %add3A_487 {offsets = [0, 0], sizes = [512, 128], strides = [1, 1]} : vector<512x512xf32> to vector<512x128xf32>
    %slice3A_489 = vector.extract_strided_slice %get3A_483 {offsets = [0, 0], sizes = [1, 128], strides = [1, 1]} : vector<1x512xf32> to vector<1x128xf32>
    %broadcast_in_dim3A_490 = vector.shape_cast %slice3A_489 : vector<1x128xf32> to vector<1x128xf32>
    %broadcast_in_dim3A_491 = vector.broadcast %broadcast_in_dim3A_490 : vector<1x128xf32> to vector<512x128xf32>
    %slice3A_492 = vector.extract_strided_slice %add3A_487 {offsets = [0, 128], sizes = [512, 128], strides = [1, 1]} : vector<512x512xf32> to vector<512x128xf32>
    %slice3A_493 = vector.extract_strided_slice %get3A_483 {offsets = [0, 128], sizes = [1, 128], strides = [1, 1]} : vector<1x512xf32> to vector<1x128xf32>
    %broadcast_in_dim3A_494 = vector.shape_cast %slice3A_493 : vector<1x128xf32> to vector<1x128xf32>
    %broadcast_in_dim3A_495 = vector.broadcast %broadcast_in_dim3A_494 : vector<1x128xf32> to vector<512x128xf32>
    %lt3A_496 = arith.cmpf olt, %slice3A_492, %slice3A_488 : vector<512x128xf32>
    %select_n3A_497 = arith.select %lt3A_496, %broadcast_in_dim3A_495, %broadcast_in_dim3A_491 : vector<512x128xi1>, vector<512x128xf32>
    %select_n3A_498 = arith.select %lt3A_496, %slice3A_492, %slice3A_488 : vector<512x128xi1>, vector<512x128xf32>
    %slice3A_499 = vector.extract_strided_slice %add3A_487 {offsets = [0, 256], sizes = [512, 128], strides = [1, 1]} : vector<512x512xf32> to vector<512x128xf32>
    %slice3A_500 = vector.extract_strided_slice %get3A_483 {offsets = [0, 256], sizes = [1, 128], strides = [1, 1]} : vector<1x512xf32> to vector<1x128xf32>
    %broadcast_in_dim3A_501 = vector.shape_cast %slice3A_500 : vector<1x128xf32> to vector<1x128xf32>
    %broadcast_in_dim3A_502 = vector.broadcast %broadcast_in_dim3A_501 : vector<1x128xf32> to vector<512x128xf32>
    %lt3A_503 = arith.cmpf olt, %slice3A_499, %select_n3A_498 : vector<512x128xf32>
    %select_n3A_504 = arith.select %lt3A_503, %broadcast_in_dim3A_502, %select_n3A_497 : vector<512x128xi1>, vector<512x128xf32>
    %select_n3A_505 = arith.select %lt3A_503, %slice3A_499, %select_n3A_498 : vector<512x128xi1>, vector<512x128xf32>
    %slice3A_506 = vector.extract_strided_slice %add3A_487 {offsets = [0, 384], sizes = [512, 128], strides = [1, 1]} : vector<512x512xf32> to vector<512x128xf32>
    %slice3A_507 = vector.extract_strided_slice %get3A_483 {offsets = [0, 384], sizes = [1, 128], strides = [1, 1]} : vector<1x512xf32> to vector<1x128xf32>
    %broadcast_in_dim3A_508 = vector.shape_cast %slice3A_507 : vector<1x128xf32> to vector<1x128xf32>
    %broadcast_in_dim3A_509 = vector.broadcast %broadcast_in_dim3A_508 : vector<1x128xf32> to vector<512x128xf32>
    %lt3A_510 = arith.cmpf olt, %slice3A_506, %select_n3A_505 : vector<512x128xf32>
    %select_n3A_511 = arith.select %lt3A_510, %broadcast_in_dim3A_509, %select_n3A_504 : vector<512x128xi1>, vector<512x128xf32>
    %select_n3A_512 = arith.select %lt3A_510, %slice3A_506, %select_n3A_505 : vector<512x128xi1>, vector<512x128xf32>
    %lt3A_513 = arith.cmpf olt, %select_n3A_512, %select_n3A_472 : vector<512x128xf32>
    %select_n3A_514 = arith.select %lt3A_513, %select_n3A_511, %select_n3A_471 : vector<512x128xi1>, vector<512x128xf32>
    %select_n3A_515 = arith.select %lt3A_513, %select_n3A_512, %select_n3A_472 : vector<512x128xi1>, vector<512x128xf32>
    %get3A_516 = arith.constant 6144 : index
    %get3A_517 = arith.constant 0 : index
    %get3A_518 = vector.load %arg5[%get3A_516, %get3A_517] : memref<8192x256xf32, #tpu.memory_space<vmem>>, vector<512x256xf32>
    %dot_general3A_519 = arith.constant dense<0.000000e+00> : vector<512x512xf32>
    %dot_general3A_520 = tpu.matmul %mul3A_5, %get3A_518, %dot_general3A_519 {dimension_numbers = #tpu.dot_dimension_numbers<[0], [1], [1], [0], [0, 1, 1, 0], [], []>, transpose_lhs_hint = false} : vector<256x512xf32>, vector<512x256xf32>, vector<512x512xf32> -> vector<512x512xf32>
    %get3A_521 = arith.constant 0 : index
    %get3A_522 = arith.constant 6144 : index
    %get3A_523 = vector.load %arg3[%get3A_521, %get3A_522] : memref<1x8192xf32, #tpu.memory_space<vmem>>, vector<1x512xf32>
    %get3A_524 = arith.constant 0 : index
    %get3A_525 = arith.constant 6144 : index
    %get3A_526 = vector.load %arg4[%get3A_524, %get3A_525] : memref<1x8192xf32, #tpu.memory_space<vmem>>, vector<1x512xf32>
    %add3A_527 = vector.broadcast %get3A_8 : vector<512x1xf32> to vector<512x512xf32>
    %add3A_528 = vector.broadcast %get3A_523 : vector<1x512xf32> to vector<512x512xf32>
    %add3A_529 = arith.addf %add3A_527, %add3A_528 : vector<512x512xf32>
    %add3A_530 = arith.addf %add3A_529, %dot_general3A_520 : vector<512x512xf32>
    %slice3A_531 = vector.extract_strided_slice %add3A_530 {offsets = [0, 0], sizes = [512, 128], strides = [1, 1]} : vector<512x512xf32> to vector<512x128xf32>
    %slice3A_532 = vector.extract_strided_slice %get3A_526 {offsets = [0, 0], sizes = [1, 128], strides = [1, 1]} : vector<1x512xf32> to vector<1x128xf32>
    %broadcast_in_dim3A_533 = vector.shape_cast %slice3A_532 : vector<1x128xf32> to vector<1x128xf32>
    %broadcast_in_dim3A_534 = vector.broadcast %broadcast_in_dim3A_533 : vector<1x128xf32> to vector<512x128xf32>
    %slice3A_535 = vector.extract_strided_slice %add3A_530 {offsets = [0, 128], sizes = [512, 128], strides = [1, 1]} : vector<512x512xf32> to vector<512x128xf32>
    %slice3A_536 = vector.extract_strided_slice %get3A_526 {offsets = [0, 128], sizes = [1, 128], strides = [1, 1]} : vector<1x512xf32> to vector<1x128xf32>
    %broadcast_in_dim3A_537 = vector.shape_cast %slice3A_536 : vector<1x128xf32> to vector<1x128xf32>
    %broadcast_in_dim3A_538 = vector.broadcast %broadcast_in_dim3A_537 : vector<1x128xf32> to vector<512x128xf32>
    %lt3A_539 = arith.cmpf olt, %slice3A_535, %slice3A_531 : vector<512x128xf32>
    %select_n3A_540 = arith.select %lt3A_539, %broadcast_in_dim3A_538, %broadcast_in_dim3A_534 : vector<512x128xi1>, vector<512x128xf32>
    %select_n3A_541 = arith.select %lt3A_539, %slice3A_535, %slice3A_531 : vector<512x128xi1>, vector<512x128xf32>
    %slice3A_542 = vector.extract_strided_slice %add3A_530 {offsets = [0, 256], sizes = [512, 128], strides = [1, 1]} : vector<512x512xf32> to vector<512x128xf32>
    %slice3A_543 = vector.extract_strided_slice %get3A_526 {offsets = [0, 256], sizes = [1, 128], strides = [1, 1]} : vector<1x512xf32> to vector<1x128xf32>
    %broadcast_in_dim3A_544 = vector.shape_cast %slice3A_543 : vector<1x128xf32> to vector<1x128xf32>
    %broadcast_in_dim3A_545 = vector.broadcast %broadcast_in_dim3A_544 : vector<1x128xf32> to vector<512x128xf32>
    %lt3A_546 = arith.cmpf olt, %slice3A_542, %select_n3A_541 : vector<512x128xf32>
    %select_n3A_547 = arith.select %lt3A_546, %broadcast_in_dim3A_545, %select_n3A_540 : vector<512x128xi1>, vector<512x128xf32>
    %select_n3A_548 = arith.select %lt3A_546, %slice3A_542, %select_n3A_541 : vector<512x128xi1>, vector<512x128xf32>
    %slice3A_549 = vector.extract_strided_slice %add3A_530 {offsets = [0, 384], sizes = [512, 128], strides = [1, 1]} : vector<512x512xf32> to vector<512x128xf32>
    %slice3A_550 = vector.extract_strided_slice %get3A_526 {offsets = [0, 384], sizes = [1, 128], strides = [1, 1]} : vector<1x512xf32> to vector<1x128xf32>
    %broadcast_in_dim3A_551 = vector.shape_cast %slice3A_550 : vector<1x128xf32> to vector<1x128xf32>
    %broadcast_in_dim3A_552 = vector.broadcast %broadcast_in_dim3A_551 : vector<1x128xf32> to vector<512x128xf32>
    %lt3A_553 = arith.cmpf olt, %slice3A_549, %select_n3A_548 : vector<512x128xf32>
    %select_n3A_554 = arith.select %lt3A_553, %broadcast_in_dim3A_552, %select_n3A_547 : vector<512x128xi1>, vector<512x128xf32>
    %select_n3A_555 = arith.select %lt3A_553, %slice3A_549, %select_n3A_548 : vector<512x128xi1>, vector<512x128xf32>
    %lt3A_556 = arith.cmpf olt, %select_n3A_555, %select_n3A_515 : vector<512x128xf32>
    %select_n3A_557 = arith.select %lt3A_556, %select_n3A_554, %select_n3A_514 : vector<512x128xi1>, vector<512x128xf32>
    %select_n3A_558 = arith.select %lt3A_556, %select_n3A_555, %select_n3A_515 : vector<512x128xi1>, vector<512x128xf32>
    %get3A_559 = arith.constant 6656 : index
    %get3A_560 = arith.constant 0 : index
    %get3A_561 = vector.load %arg5[%get3A_559, %get3A_560] : memref<8192x256xf32, #tpu.memory_space<vmem>>, vector<512x256xf32>
    %dot_general3A_562 = arith.constant dense<0.000000e+00> : vector<512x512xf32>
    %dot_general3A_563 = tpu.matmul %mul3A_5, %get3A_561, %dot_general3A_562 {dimension_numbers = #tpu.dot_dimension_numbers<[0], [1], [1], [0], [0, 1, 1, 0], [], []>, transpose_lhs_hint = false} : vector<256x512xf32>, vector<512x256xf32>, vector<512x512xf32> -> vector<512x512xf32>
    %get3A_564 = arith.constant 0 : index
    %get3A_565 = arith.constant 6656 : index
    %get3A_566 = vector.load %arg3[%get3A_564, %get3A_565] : memref<1x8192xf32, #tpu.memory_space<vmem>>, vector<1x512xf32>
    %get3A_567 = arith.constant 0 : index
    %get3A_568 = arith.constant 6656 : index
    %get3A_569 = vector.load %arg4[%get3A_567, %get3A_568] : memref<1x8192xf32, #tpu.memory_space<vmem>>, vector<1x512xf32>
    %add3A_570 = vector.broadcast %get3A_8 : vector<512x1xf32> to vector<512x512xf32>
    %add3A_571 = vector.broadcast %get3A_566 : vector<1x512xf32> to vector<512x512xf32>
    %add3A_572 = arith.addf %add3A_570, %add3A_571 : vector<512x512xf32>
    %add3A_573 = arith.addf %add3A_572, %dot_general3A_563 : vector<512x512xf32>
    %slice3A_574 = vector.extract_strided_slice %add3A_573 {offsets = [0, 0], sizes = [512, 128], strides = [1, 1]} : vector<512x512xf32> to vector<512x128xf32>
    %slice3A_575 = vector.extract_strided_slice %get3A_569 {offsets = [0, 0], sizes = [1, 128], strides = [1, 1]} : vector<1x512xf32> to vector<1x128xf32>
    %broadcast_in_dim3A_576 = vector.shape_cast %slice3A_575 : vector<1x128xf32> to vector<1x128xf32>
    %broadcast_in_dim3A_577 = vector.broadcast %broadcast_in_dim3A_576 : vector<1x128xf32> to vector<512x128xf32>
    %slice3A_578 = vector.extract_strided_slice %add3A_573 {offsets = [0, 128], sizes = [512, 128], strides = [1, 1]} : vector<512x512xf32> to vector<512x128xf32>
    %slice3A_579 = vector.extract_strided_slice %get3A_569 {offsets = [0, 128], sizes = [1, 128], strides = [1, 1]} : vector<1x512xf32> to vector<1x128xf32>
    %broadcast_in_dim3A_580 = vector.shape_cast %slice3A_579 : vector<1x128xf32> to vector<1x128xf32>
    %broadcast_in_dim3A_581 = vector.broadcast %broadcast_in_dim3A_580 : vector<1x128xf32> to vector<512x128xf32>
    %lt3A_582 = arith.cmpf olt, %slice3A_578, %slice3A_574 : vector<512x128xf32>
    %select_n3A_583 = arith.select %lt3A_582, %broadcast_in_dim3A_581, %broadcast_in_dim3A_577 : vector<512x128xi1>, vector<512x128xf32>
    %select_n3A_584 = arith.select %lt3A_582, %slice3A_578, %slice3A_574 : vector<512x128xi1>, vector<512x128xf32>
    %slice3A_585 = vector.extract_strided_slice %add3A_573 {offsets = [0, 256], sizes = [512, 128], strides = [1, 1]} : vector<512x512xf32> to vector<512x128xf32>
    %slice3A_586 = vector.extract_strided_slice %get3A_569 {offsets = [0, 256], sizes = [1, 128], strides = [1, 1]} : vector<1x512xf32> to vector<1x128xf32>
    %broadcast_in_dim3A_587 = vector.shape_cast %slice3A_586 : vector<1x128xf32> to vector<1x128xf32>
    %broadcast_in_dim3A_588 = vector.broadcast %broadcast_in_dim3A_587 : vector<1x128xf32> to vector<512x128xf32>
    %lt3A_589 = arith.cmpf olt, %slice3A_585, %select_n3A_584 : vector<512x128xf32>
    %select_n3A_590 = arith.select %lt3A_589, %broadcast_in_dim3A_588, %select_n3A_583 : vector<512x128xi1>, vector<512x128xf32>
    %select_n3A_591 = arith.select %lt3A_589, %slice3A_585, %select_n3A_584 : vector<512x128xi1>, vector<512x128xf32>
    %slice3A_592 = vector.extract_strided_slice %add3A_573 {offsets = [0, 384], sizes = [512, 128], strides = [1, 1]} : vector<512x512xf32> to vector<512x128xf32>
    %slice3A_593 = vector.extract_strided_slice %get3A_569 {offsets = [0, 384], sizes = [1, 128], strides = [1, 1]} : vector<1x512xf32> to vector<1x128xf32>
    %broadcast_in_dim3A_594 = vector.shape_cast %slice3A_593 : vector<1x128xf32> to vector<1x128xf32>
    %broadcast_in_dim3A_595 = vector.broadcast %broadcast_in_dim3A_594 : vector<1x128xf32> to vector<512x128xf32>
    %lt3A_596 = arith.cmpf olt, %slice3A_592, %select_n3A_591 : vector<512x128xf32>
    %select_n3A_597 = arith.select %lt3A_596, %broadcast_in_dim3A_595, %select_n3A_590 : vector<512x128xi1>, vector<512x128xf32>
    %select_n3A_598 = arith.select %lt3A_596, %slice3A_592, %select_n3A_591 : vector<512x128xi1>, vector<512x128xf32>
    %lt3A_599 = arith.cmpf olt, %select_n3A_598, %select_n3A_558 : vector<512x128xf32>
    %select_n3A_600 = arith.select %lt3A_599, %select_n3A_597, %select_n3A_557 : vector<512x128xi1>, vector<512x128xf32>
    %select_n3A_601 = arith.select %lt3A_599, %select_n3A_598, %select_n3A_558 : vector<512x128xi1>, vector<512x128xf32>
    %get3A_602 = arith.constant 7168 : index
    %get3A_603 = arith.constant 0 : index
    %get3A_604 = vector.load %arg5[%get3A_602, %get3A_603] : memref<8192x256xf32, #tpu.memory_space<vmem>>, vector<512x256xf32>
    %dot_general3A_605 = arith.constant dense<0.000000e+00> : vector<512x512xf32>
    %dot_general3A_606 = tpu.matmul %mul3A_5, %get3A_604, %dot_general3A_605 {dimension_numbers = #tpu.dot_dimension_numbers<[0], [1], [1], [0], [0, 1, 1, 0], [], []>, transpose_lhs_hint = false} : vector<256x512xf32>, vector<512x256xf32>, vector<512x512xf32> -> vector<512x512xf32>
    %get3A_607 = arith.constant 0 : index
    %get3A_608 = arith.constant 7168 : index
    %get3A_609 = vector.load %arg3[%get3A_607, %get3A_608] : memref<1x8192xf32, #tpu.memory_space<vmem>>, vector<1x512xf32>
    %get3A_610 = arith.constant 0 : index
    %get3A_611 = arith.constant 7168 : index
    %get3A_612 = vector.load %arg4[%get3A_610, %get3A_611] : memref<1x8192xf32, #tpu.memory_space<vmem>>, vector<1x512xf32>
    %add3A_613 = vector.broadcast %get3A_8 : vector<512x1xf32> to vector<512x512xf32>
    %add3A_614 = vector.broadcast %get3A_609 : vector<1x512xf32> to vector<512x512xf32>
    %add3A_615 = arith.addf %add3A_613, %add3A_614 : vector<512x512xf32>
    %add3A_616 = arith.addf %add3A_615, %dot_general3A_606 : vector<512x512xf32>
    %slice3A_617 = vector.extract_strided_slice %add3A_616 {offsets = [0, 0], sizes = [512, 128], strides = [1, 1]} : vector<512x512xf32> to vector<512x128xf32>
    %slice3A_618 = vector.extract_strided_slice %get3A_612 {offsets = [0, 0], sizes = [1, 128], strides = [1, 1]} : vector<1x512xf32> to vector<1x128xf32>
    %broadcast_in_dim3A_619 = vector.shape_cast %slice3A_618 : vector<1x128xf32> to vector<1x128xf32>
    %broadcast_in_dim3A_620 = vector.broadcast %broadcast_in_dim3A_619 : vector<1x128xf32> to vector<512x128xf32>
    %slice3A_621 = vector.extract_strided_slice %add3A_616 {offsets = [0, 128], sizes = [512, 128], strides = [1, 1]} : vector<512x512xf32> to vector<512x128xf32>
    %slice3A_622 = vector.extract_strided_slice %get3A_612 {offsets = [0, 128], sizes = [1, 128], strides = [1, 1]} : vector<1x512xf32> to vector<1x128xf32>
    %broadcast_in_dim3A_623 = vector.shape_cast %slice3A_622 : vector<1x128xf32> to vector<1x128xf32>
    %broadcast_in_dim3A_624 = vector.broadcast %broadcast_in_dim3A_623 : vector<1x128xf32> to vector<512x128xf32>
    %lt3A_625 = arith.cmpf olt, %slice3A_621, %slice3A_617 : vector<512x128xf32>
    %select_n3A_626 = arith.select %lt3A_625, %broadcast_in_dim3A_624, %broadcast_in_dim3A_620 : vector<512x128xi1>, vector<512x128xf32>
    %select_n3A_627 = arith.select %lt3A_625, %slice3A_621, %slice3A_617 : vector<512x128xi1>, vector<512x128xf32>
    %slice3A_628 = vector.extract_strided_slice %add3A_616 {offsets = [0, 256], sizes = [512, 128], strides = [1, 1]} : vector<512x512xf32> to vector<512x128xf32>
    %slice3A_629 = vector.extract_strided_slice %get3A_612 {offsets = [0, 256], sizes = [1, 128], strides = [1, 1]} : vector<1x512xf32> to vector<1x128xf32>
    %broadcast_in_dim3A_630 = vector.shape_cast %slice3A_629 : vector<1x128xf32> to vector<1x128xf32>
    %broadcast_in_dim3A_631 = vector.broadcast %broadcast_in_dim3A_630 : vector<1x128xf32> to vector<512x128xf32>
    %lt3A_632 = arith.cmpf olt, %slice3A_628, %select_n3A_627 : vector<512x128xf32>
    %select_n3A_633 = arith.select %lt3A_632, %broadcast_in_dim3A_631, %select_n3A_626 : vector<512x128xi1>, vector<512x128xf32>
    %select_n3A_634 = arith.select %lt3A_632, %slice3A_628, %select_n3A_627 : vector<512x128xi1>, vector<512x128xf32>
    %slice3A_635 = vector.extract_strided_slice %add3A_616 {offsets = [0, 384], sizes = [512, 128], strides = [1, 1]} : vector<512x512xf32> to vector<512x128xf32>
    %slice3A_636 = vector.extract_strided_slice %get3A_612 {offsets = [0, 384], sizes = [1, 128], strides = [1, 1]} : vector<1x512xf32> to vector<1x128xf32>
    %broadcast_in_dim3A_637 = vector.shape_cast %slice3A_636 : vector<1x128xf32> to vector<1x128xf32>
    %broadcast_in_dim3A_638 = vector.broadcast %broadcast_in_dim3A_637 : vector<1x128xf32> to vector<512x128xf32>
    %lt3A_639 = arith.cmpf olt, %slice3A_635, %select_n3A_634 : vector<512x128xf32>
    %select_n3A_640 = arith.select %lt3A_639, %broadcast_in_dim3A_638, %select_n3A_633 : vector<512x128xi1>, vector<512x128xf32>
    %select_n3A_641 = arith.select %lt3A_639, %slice3A_635, %select_n3A_634 : vector<512x128xi1>, vector<512x128xf32>
    %lt3A_642 = arith.cmpf olt, %select_n3A_641, %select_n3A_601 : vector<512x128xf32>
    %select_n3A_643 = arith.select %lt3A_642, %select_n3A_640, %select_n3A_600 : vector<512x128xi1>, vector<512x128xf32>
    %select_n3A_644 = arith.select %lt3A_642, %select_n3A_641, %select_n3A_601 : vector<512x128xi1>, vector<512x128xf32>
    %get3A_645 = arith.constant 7680 : index
    %get3A_646 = arith.constant 0 : index
    %get3A_647 = vector.load %arg5[%get3A_645, %get3A_646] : memref<8192x256xf32, #tpu.memory_space<vmem>>, vector<512x256xf32>
    %dot_general3A_648 = arith.constant dense<0.000000e+00> : vector<512x512xf32>
    %dot_general3A_649 = tpu.matmul %mul3A_5, %get3A_647, %dot_general3A_648 {dimension_numbers = #tpu.dot_dimension_numbers<[0], [1], [1], [0], [0, 1, 1, 0], [], []>, transpose_lhs_hint = false} : vector<256x512xf32>, vector<512x256xf32>, vector<512x512xf32> -> vector<512x512xf32>
    %get3A_650 = arith.constant 0 : index
    %get3A_651 = arith.constant 7680 : index
    %get3A_652 = vector.load %arg3[%get3A_650, %get3A_651] : memref<1x8192xf32, #tpu.memory_space<vmem>>, vector<1x512xf32>
    %get3A_653 = arith.constant 0 : index
    %get3A_654 = arith.constant 7680 : index
    %get3A_655 = vector.load %arg4[%get3A_653, %get3A_654] : memref<1x8192xf32, #tpu.memory_space<vmem>>, vector<1x512xf32>
    %add3A_656 = vector.broadcast %get3A_8 : vector<512x1xf32> to vector<512x512xf32>
    %add3A_657 = vector.broadcast %get3A_652 : vector<1x512xf32> to vector<512x512xf32>
    %add3A_658 = arith.addf %add3A_656, %add3A_657 : vector<512x512xf32>
    %add3A_659 = arith.addf %add3A_658, %dot_general3A_649 : vector<512x512xf32>
    %slice3A_660 = vector.extract_strided_slice %add3A_659 {offsets = [0, 0], sizes = [512, 128], strides = [1, 1]} : vector<512x512xf32> to vector<512x128xf32>
    %slice3A_661 = vector.extract_strided_slice %get3A_655 {offsets = [0, 0], sizes = [1, 128], strides = [1, 1]} : vector<1x512xf32> to vector<1x128xf32>
    %broadcast_in_dim3A_662 = vector.shape_cast %slice3A_661 : vector<1x128xf32> to vector<1x128xf32>
    %broadcast_in_dim3A_663 = vector.broadcast %broadcast_in_dim3A_662 : vector<1x128xf32> to vector<512x128xf32>
    %slice3A_664 = vector.extract_strided_slice %add3A_659 {offsets = [0, 128], sizes = [512, 128], strides = [1, 1]} : vector<512x512xf32> to vector<512x128xf32>
    %slice3A_665 = vector.extract_strided_slice %get3A_655 {offsets = [0, 128], sizes = [1, 128], strides = [1, 1]} : vector<1x512xf32> to vector<1x128xf32>
    %broadcast_in_dim3A_666 = vector.shape_cast %slice3A_665 : vector<1x128xf32> to vector<1x128xf32>
    %broadcast_in_dim3A_667 = vector.broadcast %broadcast_in_dim3A_666 : vector<1x128xf32> to vector<512x128xf32>
    %lt3A_668 = arith.cmpf olt, %slice3A_664, %slice3A_660 : vector<512x128xf32>
    %select_n3A_669 = arith.select %lt3A_668, %broadcast_in_dim3A_667, %broadcast_in_dim3A_663 : vector<512x128xi1>, vector<512x128xf32>
    %select_n3A_670 = arith.select %lt3A_668, %slice3A_664, %slice3A_660 : vector<512x128xi1>, vector<512x128xf32>
    %slice3A_671 = vector.extract_strided_slice %add3A_659 {offsets = [0, 256], sizes = [512, 128], strides = [1, 1]} : vector<512x512xf32> to vector<512x128xf32>
    %slice3A_672 = vector.extract_strided_slice %get3A_655 {offsets = [0, 256], sizes = [1, 128], strides = [1, 1]} : vector<1x512xf32> to vector<1x128xf32>
    %broadcast_in_dim3A_673 = vector.shape_cast %slice3A_672 : vector<1x128xf32> to vector<1x128xf32>
    %broadcast_in_dim3A_674 = vector.broadcast %broadcast_in_dim3A_673 : vector<1x128xf32> to vector<512x128xf32>
    %lt3A_675 = arith.cmpf olt, %slice3A_671, %select_n3A_670 : vector<512x128xf32>
    %select_n3A_676 = arith.select %lt3A_675, %broadcast_in_dim3A_674, %select_n3A_669 : vector<512x128xi1>, vector<512x128xf32>
    %select_n3A_677 = arith.select %lt3A_675, %slice3A_671, %select_n3A_670 : vector<512x128xi1>, vector<512x128xf32>
    %slice3A_678 = vector.extract_strided_slice %add3A_659 {offsets = [0, 384], sizes = [512, 128], strides = [1, 1]} : vector<512x512xf32> to vector<512x128xf32>
    %slice3A_679 = vector.extract_strided_slice %get3A_655 {offsets = [0, 384], sizes = [1, 128], strides = [1, 1]} : vector<1x512xf32> to vector<1x128xf32>
    %broadcast_in_dim3A_680 = vector.shape_cast %slice3A_679 : vector<1x128xf32> to vector<1x128xf32>
    %broadcast_in_dim3A_681 = vector.broadcast %broadcast_in_dim3A_680 : vector<1x128xf32> to vector<512x128xf32>
    %lt3A_682 = arith.cmpf olt, %slice3A_678, %select_n3A_677 : vector<512x128xf32>
    %select_n3A_683 = arith.select %lt3A_682, %broadcast_in_dim3A_681, %select_n3A_676 : vector<512x128xi1>, vector<512x128xf32>
    %select_n3A_684 = arith.select %lt3A_682, %slice3A_678, %select_n3A_677 : vector<512x128xi1>, vector<512x128xf32>
    %lt3A_685 = arith.cmpf olt, %select_n3A_684, %select_n3A_644 : vector<512x128xf32>
    %select_n3A_686 = arith.select %lt3A_685, %select_n3A_683, %select_n3A_643 : vector<512x128xi1>, vector<512x128xf32>
    %select_n3A_687 = arith.select %lt3A_685, %select_n3A_684, %select_n3A_644 : vector<512x128xi1>, vector<512x128xf32>
    %reduce_min3A = arith.constant dense<0x7F800000> : vector<512xf32>
    %reduce_min3A_688 = vector.multi_reduction <minimumf>, %select_n3A_687, %reduce_min3A [1] : vector<512x128xf32> to vector<512xf32>
    %broadcast_in_dim3A_689 = vector.shape_cast %reduce_min3A_688 : vector<512xf32> to vector<512x1xf32>
    %eq3A = vector.broadcast %broadcast_in_dim3A_689 : vector<512x1xf32> to vector<512x128xf32>
    %eq3A_690 = arith.cmpf oeq, %select_n3A_687, %eq3A : vector<512x128xf32>
    %jit3A = arith.constant 0x7F800000 : f32
    %broadcast_in_dim3A_691 = vector.broadcast %jit3A : f32 to vector<512x128xf32>
    %select_n3A_692 = arith.select %eq3A_690, %select_n3A_686, %broadcast_in_dim3A_691 : vector<512x128xi1>, vector<512x128xf32>
    %reduce_min3A_693 = arith.constant dense<0x7F800000> : vector<512xf32>
    %reduce_min3A_694 = vector.multi_reduction <minimumf>, %select_n3A_692, %reduce_min3A_693 [1] : vector<512x128xf32> to vector<512xf32>
    %broadcast_in_dim3A_695 = vector.shape_cast %reduce_min3A_694 : vector<512xf32> to vector<512x1xf32>
    %convert_element_type3A = arith.fptosi %broadcast_in_dim3A_695 : vector<512x1xf32> to vector<512x1xi32>
    %swap3A = arith.constant 0 : index
    %swap3A_696 = arith.constant 0 : index
    %swap3A_697 = vector.load %arg6[%swap3A, %swap3A_696] : memref<512x1xi32, #tpu.memory_space<vmem>>, vector<512x1xi32>
    tpu.vector_store %arg6[%swap3A, %swap3A_696], %convert_element_type3A {strides = array<i32>} : memref<512x1xi32, #tpu.memory_space<vmem>>, vector<512x1xi32>,
    %reduce_sum3A = vector.shape_cast %broadcast_in_dim3A_689 : vector<512x1xf32> to vector<1x512x1xf32>
    %reduce_sum3A_698 = arith.constant dense<0.000000e+00> : vector<1xf32>
    %reduce_sum3A_699 = vector.multi_reduction <add>, %reduce_sum3A, %reduce_sum3A_698 [1, 2] : vector<1x512x1xf32> to vector<1xf32>
    %reduce_sum3A_700 = vector.shape_cast %reduce_sum3A_699 : vector<1xf32> to vector<1x1x1xf32>
    %reduce_sum3A_701 = vector.extract %reduce_sum3A_700[0, 0, 0] : f32 from vector<1x1x1xf32>
    %eq3A_702 = arith.constant 0 : i32
    %eq3A_703 = arith.cmpi eq, %arg0, %eq3A_702 : i32
    %convert_element_type3A_704 = arith.extui %eq3A_703 : i1 to i32
    %cond3A = arith.constant 0 : i32
    %cond3A_705 = arith.cmpi ne, %convert_element_type3A_704, %cond3A : i32
    scf.if %cond3A_705 {
      %swap3A_715 = arith.constant 0 : index
      %swap3A_716 = arith.constant 0 : index
      %swap3A_717 = memref.load %arg8[%swap3A_715, %swap3A_716] : memref<1x1xf32, #tpu.memory_space<smem>>
      memref.store %reduce_sum3A_701, %arg8[%swap3A_715, %swap3A_716] : memref<1x1xf32, #tpu.memory_space<smem>>
    } else {
    }
    %gt3A = arith.constant 0 : i32
    %gt3A_706 = arith.cmpi sgt, %arg0, %gt3A : i32
    %convert_element_type3A_707 = arith.extui %gt3A_706 : i1 to i32
    %cond3A_708 = arith.constant 0 : i32
    %cond3A_709 = arith.cmpi ne, %convert_element_type3A_707, %cond3A_708 : i32
    scf.if %cond3A_709 {
      %get3A_715 = arith.constant 0 : index
      %get3A_716 = arith.constant 0 : index
      %get3A_717 = memref.load %arg8[%get3A_715, %get3A_716] : memref<1x1xf32, #tpu.memory_space<smem>>
      %add3A_718 = arith.addf %get3A_717, %reduce_sum3A_701 : f32
      %swap3A_719 = arith.constant 0 : index
      %swap3A_720 = arith.constant 0 : index
      %swap3A_721 = memref.load %arg8[%swap3A_719, %swap3A_720] : memref<1x1xf32, #tpu.memory_space<smem>>
      memref.store %add3A_718, %arg8[%swap3A_719, %swap3A_720] : memref<1x1xf32, #tpu.memory_space<smem>>
    } else {
    }
    %eq3A_710 = arith.constant 15 : i32
    %eq3A_711 = arith.cmpi eq, %arg0, %eq3A_710 : i32
    %convert_element_type3A_712 = arith.extui %eq3A_711 : i1 to i32
    %cond3A_713 = arith.constant 0 : i32
    %cond3A_714 = arith.cmpi ne, %convert_element_type3A_712, %cond3A_713 : i32
    scf.if %cond3A_714 {
      %get3A_715 = arith.constant 0 : index
      %get3A_716 = arith.constant 0 : index
      %get3A_717 = memref.load %arg8[%get3A_715, %get3A_716] : memref<1x1xf32, #tpu.memory_space<smem>>
      %div3A = arith.constant 0x4A000000 : f32
      %div3A_718 = arith.divf %get3A_717, %div3A : f32
      %broadcast_in_dim3A_719 = vector.broadcast %div3A_718 : f32 to vector<1x1xf32>
      %swap3A_720 = arith.constant 0 : index
      %swap3A_721 = arith.constant 0 : index
      %swap3A_722 = vector.load %arg7[%swap3A_720, %swap3A_721] : memref<1x1xf32, #tpu.memory_space<vmem>>, vector<1x1xf32>
      tpu.vector_store %arg7[%swap3A_720, %swap3A_721], %broadcast_in_dim3A_719 {strides = array<i32>} : memref<1x1xf32, #tpu.memory_space<vmem>>, vector<1x1xf32>,
    } else {
    }
    return
  }
  func.func @transform_0(%arg0: i32) -> (i32, i32, i32) {
    %jit3A = arith.constant 2 : i32
    %div3A = arith.divsi %arg0, %jit3A : i32
    %sign3A = arith.constant 0 : i32
    %sign3A_0 = arith.cmpi sgt, %arg0, %sign3A : i32
    %sign3A_1 = arith.extui %sign3A_0 : i1 to i32
    %sign3A_2 = arith.constant 0 : i32
    %sign3A_3 = arith.cmpi slt, %arg0, %sign3A_2 : i32
    %sign3A_4 = arith.extui %sign3A_3 : i1 to i32
    %sign3A_5 = arith.subi %sign3A_1, %sign3A_4 : i32
    %sign3A_6 = arith.constant 0 : i32
    %sign3A_7 = arith.cmpi sgt, %jit3A, %sign3A_6 : i32
    %sign3A_8 = arith.extui %sign3A_7 : i1 to i32
    %sign3A_9 = arith.constant 0 : i32
    %sign3A_10 = arith.cmpi slt, %jit3A, %sign3A_9 : i32
    %sign3A_11 = arith.extui %sign3A_10 : i1 to i32
    %sign3A_12 = arith.subi %sign3A_8, %sign3A_11 : i32
    %ne3A = arith.cmpi ne, %sign3A_5, %sign3A_12 : i32
    %rem3A = arith.remsi %arg0, %jit3A : i32
    %ne3A_13 = arith.constant 0 : i32
    %ne3A_14 = arith.cmpi ne, %rem3A, %ne3A_13 : i32
    %and3A = arith.andi %ne3A, %ne3A_14 : i1
    %sub3A = arith.constant 1 : i32
    %sub3A_15 = arith.subi %div3A, %sub3A : i32
    %select_n3A = arith.select %and3A, %sub3A_15, %div3A : i32
    %jit3A_16 = arith.constant 2 : i32
    %eq3A = arith.constant 0 : i32
    %eq3A_17 = arith.cmpi eq, %jit3A_16, %eq3A : i32
    %jit3A_18 = arith.constant 1 : i32
    %select_n3A_19 = arith.select %eq3A_17, %jit3A_18, %jit3A_16 : i32
    %rem3A_20 = arith.remsi %arg0, %select_n3A_19 : i32
    %ne3A_21 = arith.constant 0 : i32
    %ne3A_22 = arith.cmpi ne, %rem3A_20, %ne3A_21 : i32
    %lt3A = arith.constant 0 : i32
    %lt3A_23 = arith.cmpi slt, %rem3A_20, %lt3A : i32
    %lt3A_24 = arith.constant 0 : i32
    %lt3A_25 = arith.cmpi slt, %select_n3A_19, %lt3A_24 : i32
    %ne3A_26 = arith.xori %lt3A_23, %lt3A_25 : i1
    %and3A_27 = arith.andi %ne3A_26, %ne3A_22 : i1
    %add3A = arith.addi %rem3A_20, %select_n3A_19 : i32
    %select_n3A_28 = arith.select %and3A_27, %add3A, %rem3A_20 : i32
    %c0_i32 = arith.constant 0 : i32
    %c0_i32_29 = arith.constant 0 : i32
    return %select_n3A, %c0_i32, %select_n3A_28 : i32, i32, i32
  }
  func.func @transform_1(%arg0: i32) -> (i32, i32) {
    %c0_i32 = arith.constant 0 : i32
    %c0_i32_0 = arith.constant 0 : i32
    return %arg0, %c0_i32 : i32, i32
  }
  func.func @transform_2(%arg0: i32) -> (i32, i32) {
    %c0_i32 = arith.constant 0 : i32
    %c0_i32_0 = arith.constant 0 : i32
    %c0_i32_1 = arith.constant 0 : i32
    return %c0_i32, %c0_i32_0 : i32, i32
  }
  func.func @transform_3(%arg0: i32) -> (i32, i32) {
    %c0_i32 = arith.constant 0 : i32
    %c0_i32_0 = arith.constant 0 : i32
    %c0_i32_1 = arith.constant 0 : i32
    return %c0_i32, %c0_i32_0 : i32, i32
  }
  func.func @transform_4(%arg0: i32) -> (i32, i32) {
    %c0_i32 = arith.constant 0 : i32
    %c0_i32_0 = arith.constant 0 : i32
    %c0_i32_1 = arith.constant 0 : i32
    return %c0_i32, %c0_i32_0 : i32, i32
  }
  func.func @transform_5(%arg0: i32) -> (i32, i32) {
    %c0_i32 = arith.constant 0 : i32
    %c0_i32_0 = arith.constant 0 : i32
    return %arg0, %c0_i32 : i32, i32
  }
  func.func @transform_6(%arg0: i32) -> (i32, i32) {
    %c0_i32 = arith.constant 0 : i32
    %c0_i32_0 = arith.constant 0 : i32
    %c0_i32_1 = arith.constant 0 : i32
    return %c0_i32, %c0_i32_0 : i32, i32
  }
}

module attributes {stable_mosaic.version = 14 : i64} {
  func.func @_ppl_body(%arg0: memref<8x1024xi32, #tpu.memory_space<vmem>>, %arg1: memref<1x1xf32, #tpu.memory_space<vmem>>) attributes {dimension_semantics = [], scalar_prefetch = 0 : i64, scratch_operands = 0 : i64, tpu.core_type = #tpu.core_type<tc>} {
    %get3A = arith.constant 0 : index
    %get3A_0 = arith.constant 0 : index
    %get3A_1 = vector.load %arg0[%get3A, %get3A_0] : memref<8x1024xi32, #tpu.memory_space<vmem>>, vector<8x1024xi32>
    %broadcast_in_dim3A = arith.constant 0 : i32
    %broadcast_in_dim3A_2 = vector.broadcast %broadcast_in_dim3A : i32 to vector<8x1024xi32>
    %slice3A = vector.extract_strided_slice %get3A_1 {offsets = [0, 0], sizes = [1, 1024], strides = [1, 1]} : vector<8x1024xi32> to vector<1x1024xi32>
    %eq3A = vector.broadcast %slice3A : vector<1x1024xi32> to vector<8x1024xi32>
    %eq3A_3 = arith.cmpi eq, %get3A_1, %eq3A : vector<8x1024xi32>
    %convert_element_type3A = arith.extui %eq3A_3 : vector<8x1024xi1> to vector<8x1024xi32>
    %add3A = arith.addi %broadcast_in_dim3A_2, %convert_element_type3A : vector<8x1024xi32>
    %slice3A_4 = vector.extract_strided_slice %get3A_1 {offsets = [1, 0], sizes = [1, 1024], strides = [1, 1]} : vector<8x1024xi32> to vector<1x1024xi32>
    %eq3A_5 = vector.broadcast %slice3A_4 : vector<1x1024xi32> to vector<8x1024xi32>
    %eq3A_6 = arith.cmpi eq, %get3A_1, %eq3A_5 : vector<8x1024xi32>
    %convert_element_type3A_7 = arith.extui %eq3A_6 : vector<8x1024xi1> to vector<8x1024xi32>
    %add3A_8 = arith.addi %add3A, %convert_element_type3A_7 : vector<8x1024xi32>
    %slice3A_9 = vector.extract_strided_slice %get3A_1 {offsets = [2, 0], sizes = [1, 1024], strides = [1, 1]} : vector<8x1024xi32> to vector<1x1024xi32>
    %eq3A_10 = vector.broadcast %slice3A_9 : vector<1x1024xi32> to vector<8x1024xi32>
    %eq3A_11 = arith.cmpi eq, %get3A_1, %eq3A_10 : vector<8x1024xi32>
    %convert_element_type3A_12 = arith.extui %eq3A_11 : vector<8x1024xi1> to vector<8x1024xi32>
    %add3A_13 = arith.addi %add3A_8, %convert_element_type3A_12 : vector<8x1024xi32>
    %slice3A_14 = vector.extract_strided_slice %get3A_1 {offsets = [3, 0], sizes = [1, 1024], strides = [1, 1]} : vector<8x1024xi32> to vector<1x1024xi32>
    %eq3A_15 = vector.broadcast %slice3A_14 : vector<1x1024xi32> to vector<8x1024xi32>
    %eq3A_16 = arith.cmpi eq, %get3A_1, %eq3A_15 : vector<8x1024xi32>
    %convert_element_type3A_17 = arith.extui %eq3A_16 : vector<8x1024xi1> to vector<8x1024xi32>
    %add3A_18 = arith.addi %add3A_13, %convert_element_type3A_17 : vector<8x1024xi32>
    %slice3A_19 = vector.extract_strided_slice %get3A_1 {offsets = [4, 0], sizes = [1, 1024], strides = [1, 1]} : vector<8x1024xi32> to vector<1x1024xi32>
    %eq3A_20 = vector.broadcast %slice3A_19 : vector<1x1024xi32> to vector<8x1024xi32>
    %eq3A_21 = arith.cmpi eq, %get3A_1, %eq3A_20 : vector<8x1024xi32>
    %convert_element_type3A_22 = arith.extui %eq3A_21 : vector<8x1024xi1> to vector<8x1024xi32>
    %add3A_23 = arith.addi %add3A_18, %convert_element_type3A_22 : vector<8x1024xi32>
    %slice3A_24 = vector.extract_strided_slice %get3A_1 {offsets = [5, 0], sizes = [1, 1024], strides = [1, 1]} : vector<8x1024xi32> to vector<1x1024xi32>
    %eq3A_25 = vector.broadcast %slice3A_24 : vector<1x1024xi32> to vector<8x1024xi32>
    %eq3A_26 = arith.cmpi eq, %get3A_1, %eq3A_25 : vector<8x1024xi32>
    %convert_element_type3A_27 = arith.extui %eq3A_26 : vector<8x1024xi1> to vector<8x1024xi32>
    %add3A_28 = arith.addi %add3A_23, %convert_element_type3A_27 : vector<8x1024xi32>
    %slice3A_29 = vector.extract_strided_slice %get3A_1 {offsets = [6, 0], sizes = [1, 1024], strides = [1, 1]} : vector<8x1024xi32> to vector<1x1024xi32>
    %eq3A_30 = vector.broadcast %slice3A_29 : vector<1x1024xi32> to vector<8x1024xi32>
    %eq3A_31 = arith.cmpi eq, %get3A_1, %eq3A_30 : vector<8x1024xi32>
    %convert_element_type3A_32 = arith.extui %eq3A_31 : vector<8x1024xi1> to vector<8x1024xi32>
    %add3A_33 = arith.addi %add3A_28, %convert_element_type3A_32 : vector<8x1024xi32>
    %slice3A_34 = vector.extract_strided_slice %get3A_1 {offsets = [7, 0], sizes = [1, 1024], strides = [1, 1]} : vector<8x1024xi32> to vector<1x1024xi32>
    %eq3A_35 = vector.broadcast %slice3A_34 : vector<1x1024xi32> to vector<8x1024xi32>
    %eq3A_36 = arith.cmpi eq, %get3A_1, %eq3A_35 : vector<8x1024xi32>
    %convert_element_type3A_37 = arith.extui %eq3A_36 : vector<8x1024xi1> to vector<8x1024xi32>
    %add3A_38 = arith.addi %add3A_33, %convert_element_type3A_37 : vector<8x1024xi32>
    %convert_element_type3A_39 = arith.sitofp %add3A_38 : vector<8x1024xi32> to vector<8x1024xf32>
    %mul3A = arith.constant 1.250000e-01 : f32
    %mul3A_40 = vector.broadcast %mul3A : f32 to vector<8x1024xf32>
    %mul3A_41 = arith.mulf %convert_element_type3A_39, %mul3A_40 : vector<8x1024xf32>
    %add3A_42 = arith.constant 1.000000e-10 : f32
    %add3A_43 = vector.broadcast %add3A_42 : f32 to vector<8x1024xf32>
    %add3A_44 = arith.addf %mul3A_41, %add3A_43 : vector<8x1024xf32>
    %log3A = math.log %add3A_44 : vector<8x1024xf32>
    %reduce_sum3A = vector.shape_cast %log3A : vector<8x1024xf32> to vector<1x8x1024xf32>
    %reduce_sum3A_45 = arith.constant dense<0.000000e+00> : vector<1xf32>
    %reduce_sum3A_46 = vector.multi_reduction <add>, %reduce_sum3A, %reduce_sum3A_45 [1, 2] : vector<1x8x1024xf32> to vector<1xf32>
    %reduce_sum3A_47 = vector.shape_cast %reduce_sum3A_46 : vector<1xf32> to vector<1x1x1xf32>
    %reduce_sum3A_48 = vector.extract %reduce_sum3A_47[0, 0, 0] : f32 from vector<1x1x1xf32>
    %mul3A_49 = arith.constant 1.250000e-01 : f32
    %mul3A_50 = arith.mulf %reduce_sum3A_48, %mul3A_49 : f32
    %neg3A = arith.constant 0.000000e+00 : f32
    %neg3A_51 = arith.subf %neg3A, %mul3A_50 : f32
    %exp3A = math.exp %neg3A_51 : f32
    %broadcast_in_dim3A_52 = vector.broadcast %exp3A : f32 to vector<1x1xf32>
    %swap3A = arith.constant 0 : index
    %swap3A_53 = arith.constant 0 : index
    %swap3A_54 = vector.load %arg1[%swap3A, %swap3A_53] : memref<1x1xf32, #tpu.memory_space<vmem>>, vector<1x1xf32>
    tpu.vector_store %arg1[%swap3A, %swap3A_53], %broadcast_in_dim3A_52 {strides = array<i32>} : memref<1x1xf32, #tpu.memory_space<vmem>>, vector<1x1xf32>,
    return
  }
}

</mosaic_0001>

<sc_bundles>
// kernel: kernel.5.cloned.1.call-start
scs
__scs_entry_jumppad:
0x0: {  	(pc) =	sbr.rel $0x88, $3  }
0x1: {  	(tag) =	ssettag $0x0;
	lr =	simm.s32 $0x1  }
0x2: {  	[smem:$0x3F9F] =	sst lr;
	_ =	strace $0xD0000000  }
0x3: {  	_ = 	snop  }
0x4: {  	_ = 	snop  }
0x5: {  	_ = 	snop  }
0x6: {  	_ = 	snop  }
0x7: {  	_ = 	snop  }
__scs_overlays_trampoline_lowered:
0x8: {  	[smem:$0x3FAE] =	sst s0  }
0x9: {  	[smem:$0x3FAF] =	sst s1  }
0xa: {  	[smem:$0x3FB0] =	sst s2  }
0xb: {  	[smem:$0x3FB1] =	sst s3  }
0xc: {  	[smem:$0x3FB2] =	sst s4  }
0xd: {  	[smem:$0x3FB3] =	sst s5  }
0xe: {  	[smem:$0x3FB4] =	sst s6  }
0xf: {  	[smem:$0x3FB5] =	sst s7  }
0x10: {  	[smem:$0x3FB6] =	sst s8  }
0x11: {  	[smem:$0x3FB7] =	sst s9;
	s0 =	simm.s32 @!p0 $0x0  }
0x12: {  	s1 =	sld [smem:$0x3F9D];
	s0 =	simm.s32 @p0 $0x1  }
0x13: {  	[smem:$0x3FB8] =	sst s0;
	s0 =	simm.s32 @!p1 $0x0  }
0x14: {  	s2 =	sld [smem:$0x3F9C];
	s0 =	simm.s32 @p1 $0x1  }
0x15: {  	[smem:$0x3FB9] =	sst s0;
	s0 =	simm.s32 @!p2 $0x0  }
0x16: {  	s3 =	sld [smem:$0x3FDB];
	s0 =	simm.s32 @p2 $0x1  }
0x17: {  	s4 =	simm.s32 $0x1BF5;
	[smem:$0x3FBB] =	sst s0  }
0x18: {  	s0 =	sld [smem:$0x3F9E];
	_ =	swait.ge [sflag:s4], $0x0  }
0x19: {  	s7 =	sld [smem:$0x3F9F]  }
0x1a: {  	s8 =	sadd.s32 $0xFFFFE003, lr  }
0x1b: {  	s9 =	sadd.s32 $0xFFFFFEF7, lr;
	s5 =	simm.s32 $0xFFFFFFFF;
	p2 =	slt.u32 s8, $0xFFFFF086  }
0x1c: {  	p1 =	slt.u32 s9, $0xF7A;
	s5 =	simm.s32 @!p2 $0x0  }
0x1d: {  	s5 =	simm.s32 @p1 $0x1;
	p0 =	seq.s32 s7, s2  }
0x1e: {  	s7 =	smul.u32 @!p0 $0xF7A, s2;
	p2 =	seq.s32 @!p0 s5, $0x0  }
0x1f: {  	s9 =	smul.u32 $0xF7A, s1;
	s8 =	simm.s32 @!p0 $0x1BF5;
	p2 =	por !p2, p0  }
0x20: {  	[sflag:s8] =	ssyncset.s32 @!p0 $0xFFFFF086;
	s6 =	sadd.s32 @!p0 s3, s7;
	s7 =	simm.s32 @!p0 $0x108  }
0x21: {  	s3 =	sadd.s32 s3, s9;
	s6 =	sadd.s32 @!p0 $0x88, s6;
	s7 =	simm.s32 @p2 $0x1082  }
0x22: {  	[simem:s7], [sflag:s8] =	dma.local @!p0 [hbm:s6], $0xF7A  }
0x23: {  	s9 =	sor.u32 $0xD0000000, s2;
	s6 =	simm.s32 $0x108;
	_ =	swait.ge @!p0 [sflag:s8], $0x0  }
0x24: {  	s3 =	sadd.s32 $0x88, s3;
	s6 =	simm.s32 @!p1 $0x1082;
	[sflag:s4] =	ssyncset.s32 $0xFFFFF086  }
0x25: {  	[simem:s6], [sflag:s4] =	dma.local [hbm:s3], $0xF7A  }
0x26: {  	[smem:$0x3F9F] =	sst s1;
	(tag) =	ssettag s2;
	_ =	strace s9  }
0x27: {  	s1 =	sld [smem:$0x3FAF]  }
0x28: {  	s2 =	sld [smem:$0x3FB0]  }
0x29: {  	s4 =	sld [smem:$0x3FB2]  }
0x2a: {  	p0 =	seq.s32 s5, $0x0;
	s5 =	sld [smem:$0x3FB3]  }
0x2b: {  	s6 =	sld [smem:$0x3FB4]  }
0x2c: {  	s7 =	sld [smem:$0x3FB5]  }
0x2d: {  	s3 =	simm.s32 $0x108;
	s8 =	sld [smem:$0x3FB6]  }
0x2e: {  	s3 =	simm.s32 @!p0 $0x1082;
	s9 =	sld [smem:$0x3FB7]  }
0x2f: {  	lr =	sadd.s32 s0, s3;
	s0 =	sld [smem:$0x3FAE]  }
0x30: {  	s3 =	sld [smem:$0x3FB1]  }
0x31: {  	[smem:$0x3FBA] =	sst s10  }
0x32: {  	s10 =	sld [smem:$0x3FB8];
	_ =	sdelay $0x3  }
0x33: {  	p0 =	seq.s32 s10, $0x1;
	s10 =	sld [smem:$0x3FBA];
	_ =	sdelay $0x3  }
0x34: {  	[smem:$0x3FBA] =	sst s10  }
0x35: {  	s10 =	sld [smem:$0x3FB9];
	_ =	sdelay $0x3  }
0x36: {  	p1 =	seq.s32 s10, $0x1;
	s10 =	sld [smem:$0x3FBA];
	_ =	sdelay $0x3  }
0x37: {  	[smem:$0x3FBA] =	sst s10  }
0x38: {  	s10 =	sld [smem:$0x3FBB]  }
0x39: {  	_ = 	snop;
	(pc) =	sbr.ind lr, $3  }
0x3a: {  	_ = 	snop  }
0x3b: {  	_ = 	snop  }
0x3c: {  	p2 =	seq.s32 s10, $0x1;
	s10 =	sld [smem:$0x3FBA]  }
0x3d: {  	_ =	shalt  }
0x3e: {  	_ =	shalt  }
0x3f: {  	_ =	shalt  }
0x40: {  	_ =	shalt  }
0x41: {  	_ =	shalt  }
0x42: {  	_ =	shalt  }
0x43: {  	_ =	shalt  }
0x44: {  	_ =	shalt  }
0x45: {  	_ =	shalt  }
0x46: {  	_ =	shalt  }
0x47: {  	_ =	shalt  }
0x48: {  	_ =	shalt  }
0x49: {  	_ =	shalt  }
0x4a: {  	_ =	shalt  }
0x4b: {  	_ =	shalt  }
0x4c: {  	_ =	shalt  }
0x4d: {  	_ =	shalt  }
0x4e: {  	_ =	shalt  }
0x4f: {  	_ =	shalt  }
0x50: {  	_ =	shalt  }
0x51: {  	_ =	shalt  }
0x52: {  	_ =	shalt  }
0x53: {  	_ =	shalt  }
0x54: {  	_ =	shalt  }
0x55: {  	_ =	shalt  }
0x56: {  	_ =	shalt  }
0x57: {  	_ =	shalt  }
0x58: {  	_ =	shalt  }
0x59: {  	_ =	shalt  }
0x5a: {  	_ =	shalt  }
0x5b: {  	_ =	shalt  }
0x5c: {  	_ =	shalt  }
0x5d: {  	_ =	shalt  }
0x5e: {  	_ =	shalt  }
0x5f: {  	_ =	shalt  }
0x60: {  	_ =	shalt  }
0x61: {  	_ =	shalt  }
0x62: {  	_ =	shalt  }
0x63: {  	_ =	shalt  }
0x64: {  	_ =	shalt  }
0x65: {  	_ =	shalt  }
0x66: {  	_ =	shalt  }
0x67: {  	_ =	shalt  }
0x68: {  	_ =	shalt  }
0x69: {  	_ =	shalt  }
0x6a: {  	_ =	shalt  }
0x6b: {  	_ =	shalt  }
0x6c: {  	_ =	shalt  }
0x6d: {  	_ =	shalt  }
0x6e: {  	_ =	shalt  }
0x6f: {  	_ =	shalt  }
0x70: {  	_ =	shalt  }
0x71: {  	_ =	shalt  }
0x72: {  	_ =	shalt  }
0x73: {  	_ =	shalt  }
0x74: {  	_ =	shalt  }
0x75: {  	_ =	shalt  }
0x76: {  	_ =	shalt  }
0x77: {  	_ =	shalt  }
0x78: {  	_ =	shalt  }
0x79: {  	_ =	shalt  }
0x7a: {  	_ =	shalt  }
0x7b: {  	_ =	shalt  }
0x7c: {  	_ =	shalt  }
0x7d: {  	_ =	shalt  }
0x7e: {  	_ =	shalt  }
0x7f: {  	_ =	shalt  }
0x80: {  	_ =	shalt  }
0x81: {  	_ =	shalt  }
0x82: {  	_ =	shalt  }
0x83: {  	_ =	shalt  }
0x84: {  	_ =	shalt  }
0x85: {  	_ =	shalt  }
0x86: {  	_ =	shalt  }
0x87: {  	_ =	shalt  }
.Lfunc_end0:
.L_simem_size_0:
called_computation_lowered:
.L_overlay_start_0:
0x88: {  	s2 =	sld [smem:$0x3FD9]  }
0x89: {  	s3 =	sld [smem:$0x3FFE];
	_ =	sdelay $0x1  }
0x8a: {  	s1 =	srdreg.scid  }
0x8b: {  	s0 =	sand.u32 $0x1, s1  }
0x8c: {  	s14 =	sshll.u32 s0, $0xA;
	s2 =	sadd.s32 s3, s2  }
0x8d: {  	s2 =	sadd.s32 s2, s14  }
0x8e: {  	[smem:$0x3FC6] =	sst s2  }
0x8f: {  	_ = 	snop  }
0x90: {  	s2 =	sld [smem:$0x3FD0];
	_ =	sdelay $0x2  }
0x91: {  	s4 =	simm.s32 $0xA;
	s5 =	simm.s32 $0x10;
	s15 =	sld [smem:$0x3FC8]  }
0x92: {  	[smem:s5], [sflag:s4] =	dma.local [hbm:s2], $0x1  }
0x93: {  	_ =	swait.eq [sflag:s4], $0x1  }
0x94: {  	[sflag:s4] =	ssyncset.done $0x0  }
0x95: {  	[sflag:s4] =	ssyncadd.s32 $0xFFFFFFFF  }
0x96: {  	s16 =	sld [smem:$0x10];
	(tm) =	ssettm $0x1  }
0x97: {  	s17 =	sld [smem:$0x3FFB];
	_ =	sdelay $0x3  }
0x98: {  	_ =	strace s17  }
0x99: {  	s4 =	sld [smem:$0x3FFC];
	_ =	sdelay $0x3  }
0x9a: {  	_ =	strace s4  }
0x9b: {  	s4 =	sld [smem:$0x3FFD];
	_ =	sdelay $0x3  }
0x9c: {  	_ =	strace s4  }
0x9d: {  	_ =	strace $0x8FFFFFFF  }
0x9e: {  	s18 =	sld [smem:$0x3FDB];
	_ =	sdelay $0x1  }
0x9f: {  	s19 =	simm.s32 $_scs_section_size  }
0xa0: {  	s6 =	simm.s32 $_size__tile_overlayer_lowered;
	s7 =	simm.s32 $_tile_overlayer_lowered  }
0xa1: {  	s22 =	simm.s32 $0x1BFF;
	s21 =	sshll.u32 s7, $0x1;
	s4 =	sadd.s32 s19, s18  }
0xa2: {  	s8 =	simm.s32 $0x0;
	s20 =	sshll.u32 s6, $0x1;
	s6 =	sadd.s32 s21, s4  }
0xa3: {  	[timem:s8], [sflag:s22] =	dma.local [hbm:s6], s20  }
0xa4: {  	_ =	swait.ge [sflag:s22], s20  }
0xa5: {  	s5 =	ssub.s32 $0x0, s20;
	[sflag:s22] =	ssyncset.done $0x0  }
0xa6: {  	[sflag:s22] =	ssyncadd.s32 s5;
	_ =	sdelay $0x1  }
0xa7: {  	s23 =	simm.s32 $0x1B8B  }
0xa8: {  	_ =	swait.ge [sflag:s23], $0x1  }
0xa9: {  	[sflag:s23] =	ssyncset.done $0x0  }
0xaa: {  	s25 =	simm.s32 $0x1B8E;
	s24 =	sld [smem:$0x3FFE];
	[sflag:s23] =	ssyncadd.s32 $0xFFFFFFFF  }
0xab: {  	s26 =	simm.s32 $execute0_lowered;
	[smem:$0x3FD2] =	sst s25  }
0xac: {  	s6 =	sshll.u32 s26, $0x1;
	_ =	strace $0x80000046;
	[dreg:$0x1] =	wrdreg $0xFFFFFFFF  }
0xad: {  	s28 =	simm.s32 $_size_execute0_lowered;
	s4 =	sadd.s32 s4, s6;
	[dreg:$0x0] =	wrdreg $0x0  }
0xae: {  	s6 =	sshll.u32 s28, $0x1;
	[dreg:$0x2] =	wrdreg s4  }
0xaf: {  	[dreg:$0x3] =	wrdreg s6  }
0xb0: {  	[dreg:$0x4] =	wrdreg $0xC0  }
0xb1: {  	_ =	task [dreg:s8], $0x5FFFF  }
0xb2: {  	[dreg:$0x1] =	wrdreg $0xFFFFFFFF  }
0xb3: {  	[dreg:$0x0] =	wrdreg $0x60  }
0xb4: {  	[dreg:$0x2] =	wrdreg s15  }
0xb5: {  	[dreg:$0x3] =	wrdreg s24  }
0xb6: {  	[dreg:$0x4] =	wrdreg s16  }
0xb7: {  	[dreg:$0x5] =	wrdreg $0x9  }
0xb8: {  	_ =	task.clear_ibuf [dreg:s8], $0x6FFFF;
	_ =	strace $0x90000046  }
0xb9: {  	s29 =	simm.s32 $0x9;
	_ =	strace $0x80000048  }
0xba: {  	_ =	swait.ge [sflag:s29], $0x1  }
0xbb: {  	[sflag:s29] =	ssyncadd.s32 $0xFFFFFFFF  }
0xbc: {  	_ =	strace $0x90000048  }
0xbd: {  	_ =	sfence  }
0xbe: {  	s30 =	sld [smem:$0x0];
	_ =	sdelay $0x2  }
0xbf: {  	s31 =	sshll.u32 s1, $0xD;
	s1 =	sshrl.u32 s1, $0x2  }
0xc0: {  	s3 =	sand.u32 $0x4000, s31;
	s1 =	sadd.s32 s1, s30  }
0xc1: {  	s0 =	sor.u32 s3, s0;
	s1 =	sshll.u32 s1, $0x11  }
0xc2: {  	s0 =	sor.u32 s1, s0  }
0xc3: {  	s0 =	sadd.s32 $0x8F2B, s0  }
0xc4: {  	[sflag:s0] =	ssyncadd.remote.s32 $0x1  }
0xc5: {  	_ =	sfence.sel $0xFFFF  }
0xc6: {  	[dreg:$0x0] =	wrdreg $0xFFFFFFFF;
	(pc) =	sbr.abs _section_cstart, $3  }
0xc7: {  	[dreg:$0x1] =	wrdreg $0xFFFFFFFF  }
0xc8: {  	_ =	task.clear_ibuf [dreg:s8], $0x2FFFF;
	_ =	strace $0x9FFFFFFF  }
0xc9: {  	(tm) =	ssettm $0x7FFFFFFF  }
tec
execute0_lowered:
.L_overlay_start_1:
0x0: {  	(tag) =	ssettag $0x1  }
0x1: {  	s1 =	rddreg [dreg:$0x0];
	s2 =	srdreg.scid  }
0x2: {  	s4 =	rddreg [dreg:$0x1];
	s0 =	stileid.u32  }
0x3: {  	s5 =	rddreg [dreg:$0x2];
	s3 =	simm.s32 $0x0;
	s17 =	simm.s32 $0x900  }
0x4: {  	s18 =	simm.s32 $0x1100;
	s19 =	simm.s32 $0x1900;
	s20 =	simm.s32 $0x2100  }
0x5: {  	s21 =	simm.s32 $0x2900;
	s23 =	simm.s32 $0x3100;
	[smem:$0x7FF] =	sst s3  }
0x6: {  	s24 =	simm.s32 $0x3900;
	_ =	strace $0x80000047;
	[dreg:$0x8] =	wrdreg s17  }
0x7: {  	s25 =	simm.s32 $0x4100;
	s26 =	simm.s32 $0x4900;
	[dreg:$0x9] =	wrdreg s18  }
0x8: {  	s10 =	simm.s32 $0x6900;
	s11 =	simm.s32 $0x7100;
	[dreg:$0xa] =	wrdreg s19  }
0x9: {  	s12 =	simm.s32 $0x7900;
	s13 =	simm.s32 $0x80;
	[dreg:$0xb] =	wrdreg s20  }
0xa: {  	s28 =	simm.s32 $0xE900;
	s29 =	simm.s32 $0xF100;
	[dreg:$0xc] =	wrdreg s21  }
0xb: {  	s30 =	simm.s32 $0xF900;
	s31 =	simm.s32 $0x1;
	[dreg:$0xd] =	wrdreg s23  }
0xc: {  	s2 =	sand.u32 $0x1, s2;
	s6 =	sshll.u32 s0, $0x9;
	[dreg:$0xe] =	wrdreg s24  }
0xd: {  	s7 =	sshll.u32 s2, $0x8;
	s2 =	ssub.s32 $0x2, s2;
	[dreg:$0xf] =	wrdreg s25  }
0xe: {  	[dreg:$0x10] =	wrdreg s26;
	s17 =	simm.s32 $0x9900;
	s18 =	simm.s32 $0xA100  }
0xf: {  	s19 =	simm.s32 $0xA900;
	s20 =	simm.s32 $0xB100;
	s21 =	simm.s32 $0xB900  }
0x10: {  	s23 =	simm.s32 $0xC900;
	s24 =	simm.s32 $0xD100;
	s25 =	simm.s32 $0xD900  }
0x11: {  	s26 =	simm.s32 $0xE100;
	s6 =	sor.u32 s7, s6;
	s22 =	sshrl.u32 s2, $0x1  }
0x12: {  	s7 =	sshrl.u32 s6, $0x3;
	s8 =	sor.u32 $0x80, s6;
	s6 =	sshll.u32 s6, $0x5  }
0x13: {  	s2 =	ssub.s32 s2, s22;
	s22 =	simm.s32 $0xC100;
	s7 =	sadd.s32 s4, s7  }
0x14: {  	s9 =	sshrl.u32 s8, $0x3;
	s14 =	sadd.s32 s5, s6;
	s15 =	sshll.u32 s8, $0x5  }
0x15: {  	s6 =	simm.s32 $0x100;
	s8 =	simm.s32 $0x5900;
	[dreg:$0x4] =	wrdreg s7  }
0x16: {  	s4 =	sadd.s32 s4, s9;
	[dreg:$0x6] =	wrdreg s14;
	s16 =	sadd.s32 s5, s15  }
0x17: {  	v2 =	vlaneseq.u32;
	s5 =	simm.s32 $0x3;
	s9 =	simm.s32 $0x6100;
	[dreg:$0x5] =	wrdreg s4  }
0x18: {  	vm0 =	vmmov $0xffff;
	v1 =	vshrl.u32 v2, $0x3;
	s14 =	simm.s32 $0x8100;
	s15 =	simm.s32 $0x8900;
	[dreg:$0x7] =	wrdreg s16  }
0x19: {  	v0 =	vand.u32 $0x7, v2;
	v2 =	vor.u32 $0x8, v2;
	v1 =	vmul.u32 $0x8, v1;
	s4 =	smax.u32 s2, $0x1;
	s16 =	simm.s32 $0x9100;
	s2 =	simm.s32 $0x2  }
.LBB2_1:
0x1a: {  	s0 =	rddreg [dreg:$0x4]  }
0x1b: {  	[tilespmem:s3], [sflag:$0x3] =	stream.linear.gather [hbm4b:s0+s3], $0x80, $0x38;
	[tilespmem:$0x10100] =	vst v63  }
0x1c: {  	_ =	swait.ge [sflag:s5], $0x80  }
0x1d: {  	[sflag:s5] =	ssyncset.done $0x0  }
0x1e: {  	[sflag:s5] =	ssyncadd.s32 $0xFFFFFF80  }
0x1f: {  	v3 =	vld [tilespmem:$0x0];
	_ =	sdelay $0x4  }
0x20: {  	v4 =	vshll.u32 v3, $0x1  }
0x21: {  	v3 =	vand.u32 $0x7, v3;
	v4 =	vand.u32 $0xFFFFFFF0, v4  }
0x22: {  	v3 =	vor.u32 v3, v4  }
0x23: {  	v4 =	vperm.xlane v3, v0;
	_ =	sdelay $0x1  }
0x24: {  	v3 =	vperm.xlane v3, v2;
	v4 =	vadd.s32 v1, v4;
	_ =	sdelay $0x1  }
0x25: {  	v3 =	vadd.s32 v1, v3;
	_ =	sdelay $0x2  }
0x26: {  	[tilespmem:s6], [sflag:$0x1] =	stream.indirect_vreg.gather [hbm4b:s1+s3], $0x80, v4, vm0, $0xb8;
	[tilespmem:$0x10100] =	vst v63  }
0x27: {  	s7 =	rddreg [dreg:$0x8]  }
0x28: {  	[tilespmem:s7], [sflag:$0x1] =	stream.indirect_vreg.gather [hbm4b:s1+s3], $0x80, v3, vm0, $0xb8;
	[tilespmem:$0x10100] =	vst v63  }
0x29: {  	v3 =	vld [tilespmem:$0x10];
	_ =	sdelay $0x4  }
0x2a: {  	v49 =	vshll.u32 v3, $0x1  }
0x2b: {  	v3 =	vand.u32 $0x7, v3;
	v4 =	vand.u32 $0xFFFFFFF0, v49  }
0x2c: {  	v3 =	vor.u32 v3, v4  }
0x2d: {  	v4 =	vperm.xlane v3, v0;
	_ =	sdelay $0x1  }
0x2e: {  	v3 =	vperm.xlane v3, v2;
	v4 =	vadd.s32 v1, v4;
	_ =	sdelay $0x1  }
0x2f: {  	v3 =	vadd.s32 v1, v3;
	_ =	sdelay $0x1  }
0x30: {  	s0 =	rddreg [dreg:$0x9]  }
0x31: {  	[tilespmem:s0], [sflag:$0x1] =	stream.indirect_vreg.gather [hbm4b:s1+s3], $0x80, v4, vm0, $0xb8;
	[tilespmem:$0x10100] =	vst v63  }
0x32: {  	s7 =	rddreg [dreg:$0xa]  }
0x33: {  	[tilespmem:s7], [sflag:$0x1] =	stream.indirect_vreg.gather [hbm4b:s1+s3], $0x80, v3, vm0, $0xb8;
	[tilespmem:$0x10100] =	vst v63  }
0x34: {  	v3 =	vld [tilespmem:$0x20];
	_ =	sdelay $0x4  }
0x35: {  	v50 =	vshll.u32 v3, $0x1  }
0x36: {  	v3 =	vand.u32 $0x7, v3;
	v4 =	vand.u32 $0xFFFFFFF0, v50  }
0x37: {  	v3 =	vor.u32 v3, v4  }
0x38: {  	v4 =	vperm.xlane v3, v0;
	_ =	sdelay $0x1  }
0x39: {  	v3 =	vperm.xlane v3, v2;
	v4 =	vadd.s32 v1, v4;
	_ =	sdelay $0x1  }
0x3a: {  	v3 =	vadd.s32 v1, v3;
	_ =	sdelay $0x1  }
0x3b: {  	s0 =	rddreg [dreg:$0xb]  }
0x3c: {  	[tilespmem:s0], [sflag:$0x1] =	stream.indirect_vreg.gather [hbm4b:s1+s3], $0x80, v4, vm0, $0xb8;
	[tilespmem:$0x10100] =	vst v63  }
0x3d: {  	s7 =	rddreg [dreg:$0xc]  }
0x3e: {  	[tilespmem:s7], [sflag:$0x1] =	stream.indirect_vreg.gather [hbm4b:s1+s3], $0x80, v3, vm0, $0xb8;
	[tilespmem:$0x10100] =	vst v63  }
0x3f: {  	v3 =	vld [tilespmem:$0x30];
	_ =	sdelay $0x4  }
0x40: {  	v51 =	vshll.u32 v3, $0x1  }
0x41: {  	v3 =	vand.u32 $0x7, v3;
	v4 =	vand.u32 $0xFFFFFFF0, v51  }
0x42: {  	v3 =	vor.u32 v3, v4  }
0x43: {  	v4 =	vperm.xlane v3, v0;
	_ =	sdelay $0x1  }
0x44: {  	v3 =	vperm.xlane v3, v2;
	v4 =	vadd.s32 v1, v4;
	_ =	sdelay $0x1  }
0x45: {  	v3 =	vadd.s32 v1, v3;
	_ =	sdelay $0x1  }
0x46: {  	s0 =	rddreg [dreg:$0xd]  }
0x47: {  	[tilespmem:s0], [sflag:$0x1] =	stream.indirect_vreg.gather [hbm4b:s1+s3], $0x80, v4, vm0, $0xb8;
	[tilespmem:$0x10100] =	vst v63  }
0x48: {  	s7 =	rddreg [dreg:$0xe]  }
0x49: {  	[tilespmem:s7], [sflag:$0x1] =	stream.indirect_vreg.gather [hbm4b:s1+s3], $0x80, v3, vm0, $0xb8;
	[tilespmem:$0x10100] =	vst v63  }
0x4a: {  	v3 =	vld [tilespmem:$0x40];
	_ =	sdelay $0x4  }
0x4b: {  	v52 =	vshll.u32 v3, $0x1  }
0x4c: {  	v3 =	vand.u32 $0x7, v3;
	v4 =	vand.u32 $0xFFFFFFF0, v52  }
0x4d: {  	v3 =	vor.u32 v3, v4  }
0x4e: {  	v4 =	vperm.xlane v3, v0;
	_ =	sdelay $0x1  }
0x4f: {  	v3 =	vperm.xlane v3, v2;
	v4 =	vadd.s32 v1, v4;
	_ =	sdelay $0x1  }
0x50: {  	v3 =	vadd.s32 v1, v3;
	_ =	sdelay $0x1  }
0x51: {  	s0 =	rddreg [dreg:$0xf]  }
0x52: {  	[tilespmem:s0], [sflag:$0x1] =	stream.indirect_vreg.gather [hbm4b:s1+s3], $0x80, v4, vm0, $0xb8;
	[tilespmem:$0x10100] =	vst v63  }
0x53: {  	s7 =	rddreg [dreg:$0x10]  }
0x54: {  	[tilespmem:s7], [sflag:$0x1] =	stream.indirect_vreg.gather [hbm4b:s1+s3], $0x80, v3, vm0, $0xb8;
	[tilespmem:$0x10100] =	vst v63  }
0x55: {  	v3 =	vld [tilespmem:$0x50];
	_ =	sdelay $0x4  }
0x56: {  	v53 =	vshll.u32 v3, $0x1  }
0x57: {  	v3 =	vand.u32 $0x7, v3;
	v4 =	vand.u32 $0xFFFFFFF0, v53  }
0x58: {  	v3 =	vor.u32 v3, v4  }
0x59: {  	v4 =	vperm.xlane v3, v0;
	_ =	sdelay $0x1  }
0x5a: {  	v3 =	vperm.xlane v3, v2;
	v4 =	vadd.s32 v1, v4;
	_ =	sdelay $0x1  }
0x5b: {  	v3 =	vadd.s32 v1, v3;
	_ =	sdelay $0x1  }
0x5c: {  	s7 =	simm.s32 $0x5100  }
0x5d: {  	[tilespmem:s7], [sflag:$0x1] =	stream.indirect_vreg.gather [hbm4b:s1+s3], $0x80, v4, vm0, $0xb8;
	[tilespmem:$0x10100] =	vst v63  }
0x5e: {  	_ = 	snop  }
0x5f: {  	[tilespmem:s8], [sflag:$0x1] =	stream.indirect_vreg.gather [hbm4b:s1+s3], $0x80, v3, vm0, $0xb8;
	[tilespmem:$0x10100] =	vst v63  }
0x60: {  	v3 =	vld [tilespmem:$0x60];
	_ =	sdelay $0x4  }
0x61: {  	v54 =	vshll.u32 v3, $0x1  }
0x62: {  	v3 =	vand.u32 $0x7, v3;
	v4 =	vand.u32 $0xFFFFFFF0, v54  }
0x63: {  	v3 =	vor.u32 v3, v4  }
0x64: {  	v4 =	vperm.xlane v3, v0;
	_ =	sdelay $0x1  }
0x65: {  	v3 =	vperm.xlane v3, v2;
	v4 =	vadd.s32 v1, v4;
	_ =	sdelay $0x1  }
0x66: {  	v3 =	vadd.s32 v1, v3;
	_ =	sdelay $0x2  }
0x67: {  	[tilespmem:s9], [sflag:$0x1] =	stream.indirect_vreg.gather [hbm4b:s1+s3], $0x80, v4, vm0, $0xb8;
	[tilespmem:$0x10100] =	vst v63  }
0x68: {  	_ = 	snop  }
0x69: {  	[tilespmem:s10], [sflag:$0x1] =	stream.indirect_vreg.gather [hbm4b:s1+s3], $0x80, v3, vm0, $0xb8;
	[tilespmem:$0x10100] =	vst v63  }
0x6a: {  	v3 =	vld [tilespmem:$0x70];
	_ =	sdelay $0x4  }
0x6b: {  	v55 =	vshll.u32 v3, $0x1  }
0x6c: {  	v3 =	vand.u32 $0x7, v3;
	v4 =	vand.u32 $0xFFFFFFF0, v55  }
0x6d: {  	v3 =	vor.u32 v3, v4  }
0x6e: {  	v4 =	vperm.xlane v3, v0;
	_ =	sdelay $0x1  }
0x6f: {  	v3 =	vperm.xlane v3, v2;
	v4 =	vadd.s32 v1, v4;
	_ =	sdelay $0x1  }
0x70: {  	v3 =	vadd.s32 v1, v3;
	_ =	sdelay $0x2  }
0x71: {  	[tilespmem:s11], [sflag:$0x1] =	stream.indirect_vreg.gather [hbm4b:s1+s3], $0x80, v4, vm0, $0xb8;
	[tilespmem:$0x10100] =	vst v63  }
0x72: {  	_ = 	snop  }
0x73: {  	[tilespmem:s12], [sflag:$0x1] =	stream.indirect_vreg.gather [hbm4b:s1+s3], $0x80, v3, vm0, $0xb8;
	[tilespmem:$0x10100] =	vst v63  }
0x74: {  	s7 =	rddreg [dreg:$0x5]  }
0x75: {  	[tilespmem:s13], [sflag:$0x3] =	stream.linear.gather [hbm4b:s7+s3], $0x80, $0x38;
	[tilespmem:$0x10100] =	vst v63  }
0x76: {  	_ =	swait.ge [sflag:s5], $0x80  }
0x77: {  	[sflag:s5] =	ssyncset.done $0x0  }
0x78: {  	[sflag:s5] =	ssyncadd.s32 $0xFFFFFF80  }
0x79: {  	v3 =	vld [tilespmem:$0x80];
	_ =	sdelay $0x4  }
0x7a: {  	v56 =	vshll.u32 v3, $0x1  }
0x7b: {  	v3 =	vand.u32 $0x7, v3;
	v4 =	vand.u32 $0xFFFFFFF0, v56  }
0x7c: {  	v3 =	vor.u32 v3, v4  }
0x7d: {  	v4 =	vperm.xlane v3, v0;
	_ =	sdelay $0x1  }
0x7e: {  	v3 =	vperm.xlane v3, v2;
	v4 =	vadd.s32 v1, v4;
	_ =	sdelay $0x1  }
0x7f: {  	v3 =	vadd.s32 v1, v3;
	_ =	sdelay $0x2  }
0x80: {  	[tilespmem:s14], [sflag:$0x2] =	stream.indirect_vreg.gather [hbm4b:s1+s3], $0x80, v4, vm0, $0xb8;
	[tilespmem:$0x10100] =	vst v63  }
0x81: {  	_ = 	snop  }
0x82: {  	[tilespmem:s15], [sflag:$0x2] =	stream.indirect_vreg.gather [hbm4b:s1+s3], $0x80, v3, vm0, $0xb8;
	[tilespmem:$0x10100] =	vst v63  }
0x83: {  	v3 =	vld [tilespmem:$0x90];
	_ =	sdelay $0x4  }
0x84: {  	v57 =	vshll.u32 v3, $0x1  }
0x85: {  	v3 =	vand.u32 $0x7, v3;
	v4 =	vand.u32 $0xFFFFFFF0, v57  }
0x86: {  	v3 =	vor.u32 v3, v4  }
0x87: {  	v4 =	vperm.xlane v3, v0;
	_ =	sdelay $0x1  }
0x88: {  	v3 =	vperm.xlane v3, v2;
	v4 =	vadd.s32 v1, v4;
	_ =	sdelay $0x1  }
0x89: {  	v3 =	vadd.s32 v1, v3;
	_ =	sdelay $0x2  }
0x8a: {  	[tilespmem:s16], [sflag:$0x2] =	stream.indirect_vreg.gather [hbm4b:s1+s3], $0x80, v4, vm0, $0xb8;
	[tilespmem:$0x10100] =	vst v63  }
0x8b: {  	_ = 	snop  }
0x8c: {  	[tilespmem:s17], [sflag:$0x2] =	stream.indirect_vreg.gather [hbm4b:s1+s3], $0x80, v3, vm0, $0xb8;
	[tilespmem:$0x10100] =	vst v63  }
0x8d: {  	v3 =	vld [tilespmem:$0xA0];
	_ =	sdelay $0x4  }
0x8e: {  	v58 =	vshll.u32 v3, $0x1  }
0x8f: {  	v3 =	vand.u32 $0x7, v3;
	v4 =	vand.u32 $0xFFFFFFF0, v58  }
0x90: {  	v3 =	vor.u32 v3, v4  }
0x91: {  	v4 =	vperm.xlane v3, v0;
	_ =	sdelay $0x1  }
0x92: {  	v3 =	vperm.xlane v3, v2;
	v4 =	vadd.s32 v1, v4;
	_ =	sdelay $0x1  }
0x93: {  	v3 =	vadd.s32 v1, v3;
	_ =	sdelay $0x2  }
0x94: {  	[tilespmem:s18], [sflag:$0x2] =	stream.indirect_vreg.gather [hbm4b:s1+s3], $0x80, v4, vm0, $0xb8;
	[tilespmem:$0x10100] =	vst v63  }
0x95: {  	_ = 	snop  }
0x96: {  	[tilespmem:s19], [sflag:$0x2] =	stream.indirect_vreg.gather [hbm4b:s1+s3], $0x80, v3, vm0, $0xb8;
	[tilespmem:$0x10100] =	vst v63  }
0x97: {  	v3 =	vld [tilespmem:$0xB0];
	_ =	sdelay $0x4  }
0x98: {  	v59 =	vshll.u32 v3, $0x1  }
0x99: {  	v3 =	vand.u32 $0x7, v3;
	v4 =	vand.u32 $0xFFFFFFF0, v59  }
0x9a: {  	v3 =	vor.u32 v3, v4  }
0x9b: {  	v4 =	vperm.xlane v3, v0;
	_ =	sdelay $0x1  }
0x9c: {  	v3 =	vperm.xlane v3, v2;
	v4 =	vadd.s32 v1, v4;
	_ =	sdelay $0x1  }
0x9d: {  	v3 =	vadd.s32 v1, v3;
	_ =	sdelay $0x2  }
0x9e: {  	[tilespmem:s20], [sflag:$0x2] =	stream.indirect_vreg.gather [hbm4b:s1+s3], $0x80, v4, vm0, $0xb8;
	[tilespmem:$0x10100] =	vst v63  }
0x9f: {  	_ = 	snop  }
0xa0: {  	[tilespmem:s21], [sflag:$0x2] =	stream.indirect_vreg.gather [hbm4b:s1+s3], $0x80, v3, vm0, $0xb8;
	[tilespmem:$0x10100] =	vst v63  }
0xa1: {  	v3 =	vld [tilespmem:$0xC0];
	_ =	sdelay $0x4  }
0xa2: {  	v60 =	vshll.u32 v3, $0x1  }
0xa3: {  	v3 =	vand.u32 $0x7, v3;
	v4 =	vand.u32 $0xFFFFFFF0, v60  }
0xa4: {  	v3 =	vor.u32 v3, v4  }
0xa5: {  	v4 =	vperm.xlane v3, v0;
	_ =	sdelay $0x1  }
0xa6: {  	v3 =	vperm.xlane v3, v2;
	v4 =	vadd.s32 v1, v4;
	_ =	sdelay $0x1  }
0xa7: {  	v3 =	vadd.s32 v1, v3;
	_ =	sdelay $0x2  }
0xa8: {  	[tilespmem:s22], [sflag:$0x2] =	stream.indirect_vreg.gather [hbm4b:s1+s3], $0x80, v4, vm0, $0xb8;
	[tilespmem:$0x10100] =	vst v63  }
0xa9: {  	_ = 	snop  }
0xaa: {  	[tilespmem:s23], [sflag:$0x2] =	stream.indirect_vreg.gather [hbm4b:s1+s3], $0x80, v3, vm0, $0xb8;
	[tilespmem:$0x10100] =	vst v63  }
0xab: {  	v3 =	vld [tilespmem:$0xD0];
	_ =	sdelay $0x4  }
0xac: {  	v61 =	vshll.u32 v3, $0x1  }
0xad: {  	v3 =	vand.u32 $0x7, v3;
	v4 =	vand.u32 $0xFFFFFFF0, v61  }
0xae: {  	v3 =	vor.u32 v3, v4  }
0xaf: {  	v4 =	vperm.xlane v3, v0;
	_ =	sdelay $0x1  }
0xb0: {  	v3 =	vperm.xlane v3, v2;
	v4 =	vadd.s32 v1, v4;
	_ =	sdelay $0x1  }
0xb1: {  	v3 =	vadd.s32 v1, v3;
	_ =	sdelay $0x2  }
0xb2: {  	[tilespmem:s24], [sflag:$0x2] =	stream.indirect_vreg.gather [hbm4b:s1+s3], $0x80, v4, vm0, $0xb8;
	[tilespmem:$0x10100] =	vst v63  }
0xb3: {  	_ = 	snop  }
0xb4: {  	[tilespmem:s25], [sflag:$0x2] =	stream.indirect_vreg.gather [hbm4b:s1+s3], $0x80, v3, vm0, $0xb8;
	[tilespmem:$0x10100] =	vst v63  }
0xb5: {  	v3 =	vld [tilespmem:$0xE0];
	_ =	sdelay $0x4  }
0xb6: {  	v62 =	vshll.u32 v3, $0x1  }
0xb7: {  	v3 =	vand.u32 $0x7, v3;
	v4 =	vand.u32 $0xFFFFFFF0, v62  }
0xb8: {  	v3 =	vor.u32 v3, v4  }
0xb9: {  	v4 =	vperm.xlane v3, v0;
	_ =	sdelay $0x1  }
0xba: {  	v3 =	vperm.xlane v3, v2;
	v4 =	vadd.s32 v1, v4;
	_ =	sdelay $0x1  }
0xbb: {  	v3 =	vadd.s32 v1, v3;
	_ =	sdelay $0x2  }
0xbc: {  	[tilespmem:s26], [sflag:$0x2] =	stream.indirect_vreg.gather [hbm4b:s1+s3], $0x80, v4, vm0, $0xb8;
	[tilespmem:$0x10100] =	vst v63  }
0xbd: {  	_ = 	snop  }
0xbe: {  	[tilespmem:s28], [sflag:$0x2] =	stream.indirect_vreg.gather [hbm4b:s1+s3], $0x80, v3, vm0, $0xb8;
	[tilespmem:$0x10100] =	vst v63  }
0xbf: {  	v3 =	vld [tilespmem:$0xF0];
	_ =	sdelay $0x4  }
0xc0: {  	v63 =	vshll.u32 v3, $0x1  }
0xc1: {  	v3 =	vand.u32 $0x7, v3;
	v4 =	vand.u32 $0xFFFFFFF0, v63  }
0xc2: {  	v3 =	vor.u32 v3, v4  }
0xc3: {  	v4 =	vperm.xlane v3, v0;
	_ =	sdelay $0x1  }
0xc4: {  	v3 =	vperm.xlane v3, v2;
	v4 =	vadd.s32 v1, v4;
	_ =	sdelay $0x1  }
0xc5: {  	v3 =	vadd.s32 v1, v3;
	_ =	sdelay $0x2  }
0xc6: {  	[tilespmem:s29], [sflag:$0x2] =	stream.indirect_vreg.gather [hbm4b:s1+s3], $0x80, v4, vm0, $0xb8;
	[tilespmem:$0x10100] =	vst v63  }
0xc7: {  	_ = 	snop  }
0xc8: {  	[tilespmem:s30], [sflag:$0x2] =	stream.indirect_vreg.gather [hbm4b:s1+s3], $0x80, v3, vm0, $0xb8;
	[tilespmem:$0x10100] =	vst v63  }
0xc9: {  	_ =	swait.ge [sflag:s31], $0x8000  }
0xca: {  	[sflag:s31] =	ssyncset.done $0x0  }
0xcb: {  	s7 =	rddreg [dreg:$0x6];
	[sflag:s31] =	ssyncadd.s32 $0xFFFF8000  }
0xcc: {  	[hbm4b:s7+s3] =	stream.linear.scatter [tilespmem:s6], [sflag:$0x3], $0x8000, $0x38;
	[tilespmem:$0x10100] =	vst v63  }
0xcd: {  	_ =	swait.ge [sflag:s5], $0x8000  }
0xce: {  	[sflag:s5] =	ssyncset.done $0x0  }
0xcf: {  	[sflag:s5] =	ssyncadd.s32 $0xFFFF8000  }
0xd0: {  	_ =	swait.ge [sflag:s2], $0x8000  }
0xd1: {  	p0 =	sne.s32 s4, $0x1;
	[sflag:s2] =	ssyncset.done $0x0  }
.Ltmp0:
0xd2: {  	s7 =	rddreg [dreg:$0x7];
	[sflag:s2] =	ssyncadd.s32 $0xFFFF8000;
	(pc) =	sbr.rel @p0 .LBB2_1-.Ltmp0, $4  }
0xd3: {  	[hbm4b:s7+s3] =	stream.linear.scatter [tilespmem:s14], [sflag:$0x3], $0x8000, $0x38;
	[tilespmem:$0x10100] =	vst v63  }
0xd4: {  	_ =	swait.ge [sflag:s5], $0x8000  }
0xd5: {  	[sflag:s5] =	ssyncset.done $0x0  }
0xd6: {  	s4 =	sadd.s32 $0xFFFFFFFF, s4;
	[sflag:s5] =	ssyncadd.s32 $0xFFFF8000  }
0xd7: {  	_ =	sfence.sel $0x180000  }
0xd8: {  	[bflag:$0x0] =	sbarrier.arrive $0xFFFF  }
0xd9: {  	_ =	strace $0x90000047  }
0xda: {  	s0 =	stileid.u32;
	[bflag:$0x2] =	sbarrier.arrive $0xFFFF  }
0xdb: {  	p0 =	sne.s32 s0, $0x0;
	s0 =	rddreg [dreg:$0x3]  }
0xdc: {  	s0 =	sadd.s32 @!p0 $0x100000, s0  }
0xdd: {  	[sflag:s0] =	ssyncadd.tile.s32 @!p0 $0x1;
	_ =	shalt  }
.Lfunc_end2:
_tile_overlayer_lowered:
.L_overlay_start_2:
0xde: {  	(tag) =	ssettag $0x2  }
0xdf: {  	s0 =	rddreg [dreg:$0x0];
	s2 =	stileid.u32  }
0xe0: {  	s1 =	rddreg [dreg:$0x1];
	p0 =	sne.s32 s2, $0x0  }
0xe1: {  	s3 =	rddreg [dreg:$0x2];
	[bflag:$0x3] =	sbarrier.arrive $0xFFFF;
	s2 =	simm.s32 @!p0 $0x1C03  }
0xe2: {  	[timem:s3], [sflag:s2] =	dma.local @!p0 [hbm:s0], s1  }
0xe3: {  	s0 =	simm.s32 @!p0 $0x3  }
0xe4: {  	_ =	swait.ge @!p0 [sflag:s0], s1  }
0xe5: {  	s1 =	ssub.s32 @!p0 $0x0, s1;
	[sflag:s0] =	ssyncset.done @!p0 $0x0  }
0xe6: {  	[sflag:s0] =	ssyncadd.s32 @!p0 s1  }
0xe7: {  	[bflag:$0x3] =	sbarrier.arrive $0xFFFF  }
0xe8: {  	_ =	shalt  }

</sc_bundles>
